<compile_context>
chip_gen: v7x
topology: tpu7x:2x2x1
jax: 0.10.2.dev20260603
libtpu: 0.0.44.dev20260713+nightly
codegen_flags: <defaults>
</compile_context>

<pallas_src>
import functools

import jax
import jax.numpy as jnp
from jax import lax
from jax.experimental import pallas as pl
from jax.experimental.pallas import tpu as pltpu
from jax.experimental.pallas import tpu_sc as plsc

N_NODES = 10000
E_EDGES = 320000
H = 8
D = 16
HD = H * D
B_TGT = 1024

NC = 2
NS = 16
L = 16
NW = NC * NS
EPW = E_EDGES // NW
EB = 80
NBLK = EPW // EB
NG = EB // L
CW = 64
WLR = 3
MR = EB + CW
TRASH = B_TGT
ACC_ROWS = 1152
TPW = B_TGT // NW


def _mesh():
    return plsc.VectorSubcoreMesh(
        core_axis_name="c", subcore_axis_name="s",
        num_cores=NC, num_subcores=NS)


def _build_map(tgt_hbm, tgtb, nmap):
    pltpu.sync_copy(tgt_hbm, tgtb.at[pl.ds(0, B_TGT)])
    neg = jnp.full((L,), -1, jnp.int32)
    lane0 = lax.iota(jnp.int32, L) == 0

    def zbody(i, c):
        nmap[pl.ds(i * L, L)] = neg
        return c
    lax.fori_loop(0, N_NODES // L + 1, zbody, 0)

    def mbody(b, c):
        tv = tgtb[pl.ds(b, L)]
        plsc.store_scatter(nmap, [tv], jnp.full((L,), b, jnp.int32),
                           mask=lane0)
        return c
    lax.fori_loop(0, B_TGT, mbody, 0)


@functools.partial(
    pl.kernel,
    out_type=(
        jax.ShapeDtypeStruct((E_EDGES, H), jnp.float32),
        jax.ShapeDtypeStruct((NC, B_TGT, HD), jnp.float32),
    ),
    mesh=_mesh(),
    scratch_types=[
        pltpu.VMEM_SHARED((ACC_ROWS, HD), jnp.float32),
        pltpu.VMEM((N_NODES + L,), jnp.int32),
        pltpu.VMEM((B_TGT + L,), jnp.int32),
        pltpu.VMEM((2 * EB, HD), jnp.float32),
        pltpu.VMEM((2 * EB, HD), jnp.float32),
        pltpu.VMEM((MR, HD), jnp.float32),
        pltpu.VMEM((EB, H), jnp.float32),
        pltpu.VMEM((3 * EB,), jnp.int32),
        pltpu.VMEM((EB,), jnp.int32),
        pltpu.VMEM((WLR, CW), jnp.int32),
        pltpu.SemaphoreType.DMA,
        pltpu.SemaphoreType.DMA,
        pltpu.SemaphoreType.DMA,
    ],
    compiler_params=pltpu.CompilerParams(needs_layout_passes=False),
)
def _phase1(dst_hbm, node_hbm, eft_hbm, tgt_hbm, a_hbm, part_hbm,
            acc, nmap, tgtb, eftv, nob, msg, av, dstv, hid, wl,
            sem_d, sem_e, sem_g):
    c = lax.axis_index("c")
    s = lax.axis_index("s")
    zero16 = jnp.zeros((L,), jnp.float32)
    zero16i = jnp.zeros((L,), jnp.int32)
    iota = lax.iota(jnp.int32, L)
    tile_base = c * (NS * EPW) + s * EPW

    _build_map(tgt_hbm, tgtb, nmap)

    def hz(i, carry):
        hid[pl.ds(i * L, L)] = zero16i
        return carry
    lax.fori_loop(0, EB // L, hz, 0)

    def zrow(i, carry):
        for j in range(H):
            msg[i, pl.ds(j * L, L)] = zero16
        return carry
    lax.fori_loop(0, ACC_ROWS // NS, zrow, 0)
    pltpu.sync_copy(msg.at[pl.ds(0, ACC_ROWS // NS)],
                    acc.at[pl.ds(s * (ACC_ROWS // NS), ACC_ROWS // NS)])
    plsc.subcore_barrier()

    def _eft_slice(b):
        return eft_hbm.at[pl.ds(tile_base + b * EB, EB)]

    def _dst_slice(b):
        return dst_hbm.at[pl.ds(tile_base + b * EB, EB)]

    pltpu.sync_copy(_dst_slice(0), dstv.at[pl.ds(0, EB)])
    pltpu.async_copy(_eft_slice(0), eftv.at[pl.ds(0, EB)], sem_e)
    pltpu.async_copy(node_hbm.at[dstv.at[pl.ds(0, EB)]],
                     nob.at[pl.ds(0, EB)], sem_g)
    pltpu.async_copy(_dst_slice(1), dstv.at[pl.ds(EB, EB)], sem_d)

    def block_body(blk, carry):
        p = blk & 1
        q = 1 - p
        base = tile_base + blk * EB
        nb = blk + 1
        eoff = p * EB
        noff = p * EB
        doff = (blk % 3) * EB
        ndoff = (nb % 3) * EB

        pltpu.make_async_copy(_eft_slice(blk),
                              eftv.at[pl.ds(eoff, EB)], sem_e).wait()
        pltpu.make_async_copy(node_hbm.at[dstv.at[pl.ds(doff, EB)]],
                              nob.at[pl.ds(noff, EB)], sem_g).wait()

        @pl.when(nb < NBLK)
        def _():
            pltpu.make_async_copy(_dst_slice(nb),
                                  dstv.at[pl.ds(ndoff, EB)], sem_d).wait()
            pltpu.async_copy(_eft_slice(nb), eftv.at[pl.ds(q * EB, EB)],
                             sem_e)
            pltpu.async_copy(node_hbm.at[dstv.at[pl.ds(ndoff, EB)]],
                             nob.at[pl.ds(q * EB, EB)], sem_g)

        @pl.when(blk + 2 < NBLK)
        def _():
            pltpu.async_copy(_dst_slice(blk + 2),
                             dstv.at[pl.ds(((blk + 2) % 3) * EB, EB)],
                             sem_d)

        def group_body(g, cnt):
            rows = g * L + iota
            rowse = rows + eoff
            rowsn = rows + noff

            def dot_body(t, carry):
                iotat, sims = carry
                new = list(sims)
                for u in range(2):
                    col = (iotat + u) & (D - 1)
                    for h in range(H):
                        et = plsc.load_gather(eftv, [rowse, col])
                        nt = plsc.load_gather(nob, [rowsn, col])
                        new[h] = new[h] + et * nt
                        if h < H - 1:
                            col = col + D
                return (iotat + 2, tuple(new))
            _, sims = lax.fori_loop(
                0, D // 2, dot_body,
                (iota, tuple(jnp.zeros((L,), jnp.float32)
                             for _ in range(H))))
            sims = list(sims)
            zs = [jnp.exp(sims[h]) for h in range(H)]
            ssum = (((zs[0] + zs[1]) + (zs[2] + zs[3]))
                    + ((zs[4] + zs[5]) + (zs[6] + zs[7])))
            rs = 1.0 / ssum
            a_hs = [zs[h] * rs for h in range(H)]
            hv = jnp.zeros((L,), jnp.int32)
            for h in range(H):
                plsc.store_scatter(av, [rows, hv], a_hs[h])
                if h < H - 1:
                    hv = hv + 1
            dvec = dstv[pl.ds(doff + g * L, L)]
            slots = plsc.load_gather(nmap, [dvec])
            hit = slots >= 0
            hi = hit.astype(jnp.int32)
            pos = cnt + plsc.cumsum(hi) - hi
            plsc.store_scatter(hid, [pos], rows, mask=hit)
            plsc.store_scatter(wl, [pos >> 6, pos & (CW - 1)], slots,
                               mask=hit)
            return cnt + jnp.sum(hi)
        cnt = lax.fori_loop(0, NG, group_body, jnp.int32(0))

        trash = jnp.full((L,), TRASH, jnp.int32)
        for t in range(CW // L):
            pp = cnt + t * L + iota
            plsc.store_scatter(wl, [pp >> 6, pp & (CW - 1)], trash)

        def hit_body(k, carry):
            drow = k * L + iota
            eids = plsc.load_gather(hid, [drow])
            eidse = eids + eoff
            hv = jnp.zeros((L,), jnp.int32)
            a_hs = []
            for h in range(H):
                a_hs.append(plsc.load_gather(av, [eids, hv]))
                if h < H - 1:
                    hv = hv + 1

            def msg_body(t, mc):
                iotat = mc
                col = iotat & (D - 1)
                for h in range(H):
                    et = plsc.load_gather(eftv, [eidse, col])
                    plsc.store_scatter(msg, [drow, col], et * a_hs[h])
                    if h < H - 1:
                        col = col + D
                return iotat + 1
            lax.fori_loop(0, D, msg_body, iota)
            return carry
        lax.fori_loop(0, (cnt + L - 1) >> 4, hit_body, 0)

        pltpu.sync_copy(av, a_hbm.at[pl.ds(base, EB)])
        nchunk = (cnt + CW - 1) >> 6

        def sc_body(j, carry):
            pltpu.sync_copy(msg.at[pl.ds(j * CW, CW)],
                            acc.at[wl.at[j]], add=True)
            return carry
        lax.fori_loop(0, nchunk, sc_body, 0)

        return 0
    lax.fori_loop(0, NBLK, block_body, 0)

    plsc.subcore_barrier()
    r0 = s * (B_TGT // NS)
    pltpu.sync_copy(acc.at[pl.ds(r0, B_TGT // NS)],
                    msg.at[pl.ds(0, B_TGT // NS)])
    pltpu.sync_copy(msg.at[pl.ds(0, B_TGT // NS)],
                    part_hbm.at[c].at[pl.ds(r0, B_TGT // NS)])


@functools.partial(
    pl.kernel,
    out_type=jax.ShapeDtypeStruct((B_TGT, HD), jnp.float32),
    mesh=_mesh(),
    scratch_types=[
        pltpu.VMEM((N_NODES + L,), jnp.int32),
        pltpu.VMEM((B_TGT + L,), jnp.int32),
        pltpu.VMEM((TPW,), jnp.int32),
        pltpu.VMEM((TPW, HD), jnp.float32),
        pltpu.VMEM((TPW, HD), jnp.float32),
        pltpu.VMEM((TPW, HD), jnp.float32),
        pltpu.SemaphoreType.DMA,
    ],
    compiler_params=pltpu.CompilerParams(needs_layout_passes=False),
)
def _phase2(parts_hbm, tgt_hbm, out_hbm,
            nmap, tgtb, slotv, r0v, r1v, ov, sem):
    c = lax.axis_index("c")
    s = lax.axis_index("s")
    base = (s * NC + c) * TPW

    _build_map(tgt_hbm, tgtb, nmap)
    for k in range(TPW // L):
        tv = tgtb[pl.ds(base + k * L, L)]
        slotv[pl.ds(k * L, L)] = plsc.load_gather(nmap, [tv])
    pltpu.async_copy(parts_hbm.at[0].at[slotv], r0v, sem).wait()
    pltpu.async_copy(parts_hbm.at[1].at[slotv], r1v, sem).wait()

    def row_body(i, carry):
        vs = []
        for j in range(H):
            vs.append(r0v[i, pl.ds(j * D, D)] + r1v[i, pl.ds(j * D, D)]
                      + 1e-15)
        ssq = vs[0] * vs[0]
        for j in range(1, H):
            ssq = ssq + vs[j] * vs[j]
        ib = plsc.bitcast(ssq, jnp.int32)
        y = plsc.bitcast(jnp.int32(0x5F3759DF) - (ib >> 1), jnp.float32)
        for _ in range(3):
            y = y * (1.5 - 0.5 * ssq * y * y)
        y = jnp.minimum(y, 1e12)
        for j in range(H):
            ov[i, pl.ds(j * D, D)] = vs[j] * y
        return carry
    lax.fori_loop(0, TPW, row_body, 0)
    pltpu.sync_copy(ov, out_hbm.at[pl.ds(base, TPW)])


def kernel(edge_index, node, eft, target_idx):
    dst = edge_index[1]
    node2 = node.reshape(N_NODES, HD)
    eft2 = eft.reshape(E_EDGES, HD)
    a2, parts = _phase1(dst, node2, eft2, target_idx)
    out2 = _phase2(parts, target_idx)
    return (out2.reshape(B_TGT, H, D), a2.reshape(E_EDGES, H, 1))

# --- scband reference (transcript-rebuilt; emitter-appended) ---
"""Pipeline reference for scband-magnn-metapath-specific-6889127542846 (READ-ONLY COPY).

The authoritative reference and input builder live on the scoring server;
editing this copy changes nothing except your own understanding.
"""

import jax, jax.numpy as jnp
import numpy as np

N = 10000
E = 320000
H = 8
D = 16
B = 1024

def setup_inputs(seed: int = 0):
    key = jax.random.key(seed)
    k1, k2, k3, k4 = jax.random.split(key, 4)
    edge_index = jax.random.randint(k1, (2, E), 0, N, dtype=jnp.int32)
    node = jax.random.normal(k2, (N, H, D), dtype=jnp.float32)
    eft = jax.random.normal(k3, (E, H, D), dtype=jnp.float32)
    target_idx = jax.random.randint(k4, (B,), 0, N, dtype=jnp.int32)
    return {"edge_index": edge_index, "node": node, "eft": eft, "target_idx": target_idx}

def reference(edge_index, node, eft, target_idx):
    # DGL fn.e_mul_v('eft','ft','m'): edge feature multiplied by DESTINATION node feature
    dst = edge_index[1]
    ft_dst = jnp.take(node, dst, axis=0)            # gather: [E, H, D]
    m = eft * ft_dst                                 # [E, H, D]
    sim = jnp.sum(m, axis=-1)                        # [E, H]
    # Faithful to original: softmax over last dim (heads), not over edges
    a = jax.nn.softmax(sim, axis=-1)[..., None]      # [E, H, 1]
    msg = eft * a                                    # message_passing: nft = eft * a
    # update_all(fn.sum): scatter-add messages to destination nodes
    nft = jnp.zeros((N, H, D), dtype=eft.dtype).at[dst].add(msg)
    v = nft.reshape(-1, H, D)
    out = jnp.take(v, target_idx, axis=0) + 1e-15    # [B, H, D]
    # F.normalize(x, 2) -> p=2, dim=1 (heads axis), eps=1e-12
    norm = jnp.linalg.norm(out, ord=2, axis=1, keepdims=True)
    out = out / jnp.maximum(norm, 1e-12)
    return (out, a)

if __name__ == "__main__":
    import jax
    _d = setup_inputs()
    print(jax.jit(kernel)(*tuple(_d.values())))

</pallas_src>

<mosaic_0001>
#map = affine_map<(d0, d1) -> (0)>
#map1 = affine_map<(d0, d1) -> (0, 0)>
#map2 = affine_map<(d0, d1) -> (0, 0, 0)>
module attributes {stable_mosaic.version = 14 : i64} {
  func.func @_phase1(%arg0: i32, %arg1: i32, %arg2: memref<320000xi32, #tpu.memory_space<hbm>>, %arg3: memref<10000x128xf32, #tpu.memory_space<hbm>>, %arg4: memref<320000x128xf32, #tpu.memory_space<hbm>>, %arg5: memref<1024xi32, #tpu.memory_space<hbm>>, %arg6: memref<320000x8xf32, #tpu.memory_space<hbm>>, %arg7: memref<2x1024x128xf32, #tpu.memory_space<hbm>>, %arg8: memref<1152x128xf32, #tpu.memory_space<vmem_shared>>, %arg9: memref<10016xi32, #tpu.memory_space<vmem>>, %arg10: memref<1040xi32, #tpu.memory_space<vmem>>, %arg11: memref<160x128xf32, #tpu.memory_space<vmem>>, %arg12: memref<160x128xf32, #tpu.memory_space<vmem>>, %arg13: memref<144x128xf32, #tpu.memory_space<vmem>>, %arg14: memref<80x8xf32, #tpu.memory_space<vmem>>, %arg15: memref<240xi32, #tpu.memory_space<vmem>>, %arg16: memref<80xi32, #tpu.memory_space<vmem>>, %arg17: memref<3x64xi32, #tpu.memory_space<vmem>>, %arg18: memref<!tpu.dma_semaphore, #tpu.memory_space<semaphore_mem>>, %arg19: memref<!tpu.dma_semaphore, #tpu.memory_space<semaphore_mem>>, %arg20: memref<!tpu.dma_semaphore, #tpu.memory_space<semaphore_mem>>) attributes {dimension_semantics = [#tpu.dimension_semantics<core_parallel>, #tpu.dimension_semantics<subcore_parallel>], iteration_bounds = array<i64: 2, 16>, scalar_prefetch = 0 : i64, scratch_operands = 13 : i64, tpu.core_type = #tpu.core_type<sc_vector_subcore>, window_params = [{transform_indices = #map}, {transform_indices = #map1}, {transform_indices = #map1}, {transform_indices = #map}, {transform_indices = #map1}, {transform_indices = #map2}]} {
    %broadcast_in_dim3A = arith.constant 0.000000e+00 : f32
    %broadcast_in_dim3A_0 = vector.broadcast %broadcast_in_dim3A : f32 to vector<16xf32>
    %broadcast_in_dim3A_1 = arith.constant 0 : i32
    %broadcast_in_dim3A_2 = vector.broadcast %broadcast_in_dim3A_1 : i32 to vector<16xi32>
    %iota3A = tpu.iota {dimensions = array<i32: 0>} : vector<16xi32>
    %mul3A = arith.constant 160000 : i32
    %mul3A_3 = arith.muli %arg0, %mul3A : i32
    %mul3A_4 = arith.constant 10000 : i32
    %mul3A_5 = arith.muli %arg1, %mul3A_4 : i32
    %add3A = arith.addi %mul3A_3, %mul3A_5 : i32
    "tpu.region"() ({
      %run_scoped3A = tpu.sem_alloc : memref<!tpu.dma_semaphore, #tpu.memory_space<semaphore_mem>>
      %dma_start3A_75 = arith.constant 0 : i32
      %dma_start3A_76 = tpu.memref_slice %arg10[%dma_start3A_75] : memref<1040xi32, #tpu.memory_space<vmem>> -> memref<1024xi32, #tpu.memory_space<vmem>>
      %dma_start3A_77 = arith.constant 0 : i32
      %dma_start3A_78 = tpu.memref_slice %arg10[%dma_start3A_77] : memref<1040xi32, #tpu.memory_space<vmem>> -> memref<1024xi32, #tpu.memory_space<vmem>>
      tpu.enqueue_dma source(%arg5 : memref<1024xi32, #tpu.memory_space<hbm>>) target(%dma_start3A_78 : memref<1024xi32, #tpu.memory_space<vmem>>) target_semaphore(%run_scoped3A : memref<!tpu.dma_semaphore, #tpu.memory_space<semaphore_mem>>)
      %dma_wait3A = arith.constant 0 : i32
      %dma_wait3A_79 = tpu.memref_slice %arg10[%dma_wait3A] : memref<1040xi32, #tpu.memory_space<vmem>> -> memref<1024xi32, #tpu.memory_space<vmem>>
      %dma_wait3A_80 = arith.constant 0 : i32
      %dma_wait3A_81 = tpu.memref_slice %arg10[%dma_wait3A_80] : memref<1040xi32, #tpu.memory_space<vmem>> -> memref<1024xi32, #tpu.memory_space<vmem>>
      tpu.wait_dma2 semaphore(%run_scoped3A : memref<!tpu.dma_semaphore, #tpu.memory_space<semaphore_mem>>) src(%arg5 : memref<1024xi32, #tpu.memory_space<hbm>>) dst(%dma_wait3A_81 : memref<1024xi32, #tpu.memory_space<vmem>>)
      tpu.yield
    }) : () -> ()
    %broadcast_in_dim3A_6 = arith.constant -1 : i32
    %broadcast_in_dim3A_7 = vector.broadcast %broadcast_in_dim3A_6 : i32 to vector<16xi32>
    %iota3A_8 = tpu.iota {dimensions = array<i32: 0>} : vector<16xi32>
    %eq3A = arith.constant 0 : i32
    %eq3A_9 = vector.broadcast %eq3A : i32 to vector<16xi32>
    %eq3A_10 = arith.cmpi eq, %iota3A_8, %eq3A_9 : vector<16xi32>
    %scan3A = arith.constant 0 : i32
    %scan3A_11 = arith.constant 0 : i32
    %scan3A_12 = arith.constant 626 : i32
    %scan3A_13 = arith.addi %scan3A_11, %scan3A_12 : i32
    %scan3A_14 = arith.constant 1 : i32
    scf.for %scan3A_75 = %scan3A_11 to %scan3A_13 step %scan3A_14  : i32 {
      %mul3A_76 = arith.constant 16 : i32
      %mul3A_77 = arith.muli %scan3A_75, %mul3A_76 : i32
      %swap3A = arith.index_cast %mul3A_77 : i32 to index
      %swap3A_78 = tpu.vector_load %arg9[%swap3A] {strides = array<i32>} : memref<10016xi32, #tpu.memory_space<vmem>>, vector<16xi32>,
      tpu.vector_store %arg9[%swap3A], %broadcast_in_dim3A_7 {strides = array<i32>} : memref<10016xi32, #tpu.memory_space<vmem>>, vector<16xi32>,
    }
    %scan3A_15 = arith.constant 626 : i32
    %scan3A_16 = arith.constant 0 : i32
    %scan3A_17 = arith.constant 0 : i32
    %scan3A_18 = arith.constant 1024 : i32
    %scan3A_19 = arith.addi %scan3A_17, %scan3A_18 : i32
    %scan3A_20 = arith.constant 1 : i32
    scf.for %scan3A_75 = %scan3A_17 to %scan3A_19 step %scan3A_20  : i32 {
      %get3A = arith.index_cast %scan3A_75 : i32 to index
      %get3A_76 = tpu.vector_load %arg10[%get3A] {strides = array<i32>} : memref<1040xi32, #tpu.memory_space<vmem>>, vector<16xi32>,
      %broadcast_in_dim3A_77 = vector.broadcast %scan3A_75 : i32 to vector<16xi32>
      tpu.vector_store_idx %arg9[%get3A_76], %broadcast_in_dim3A_77 masked %eq3A_10 : memref<10016xi32, #tpu.memory_space<vmem>>[vector<16xi32>], vector<16xi32>, vector<16xi1>
    }
    %scan3A_21 = arith.constant 1024 : i32
    %scan3A_22 = arith.constant 0 : i32
    %scan3A_23 = arith.constant 0 : i32
    %scan3A_24 = arith.constant 5 : i32
    %scan3A_25 = arith.addi %scan3A_23, %scan3A_24 : i32
    %scan3A_26 = arith.constant 1 : i32
    scf.for %scan3A_75 = %scan3A_23 to %scan3A_25 step %scan3A_26  : i32 {
      %mul3A_76 = arith.constant 16 : i32
      %mul3A_77 = arith.muli %scan3A_75, %mul3A_76 : i32
      %swap3A = arith.index_cast %mul3A_77 : i32 to index
      %swap3A_78 = tpu.vector_load %arg16[%swap3A] {strides = array<i32>} : memref<80xi32, #tpu.memory_space<vmem>>, vector<16xi32>,
      tpu.vector_store %arg16[%swap3A], %broadcast_in_dim3A_2 {strides = array<i32>} : memref<80xi32, #tpu.memory_space<vmem>>, vector<16xi32>,
    }
    %scan3A_27 = arith.constant 5 : i32
    %scan3A_28 = arith.constant 0 : i32
    %scan3A_29 = arith.constant 0 : i32
    %scan3A_30 = arith.constant 72 : i32
    %scan3A_31 = arith.addi %scan3A_29, %scan3A_30 : i32
    %scan3A_32 = arith.constant 1 : i32
    scf.for %scan3A_75 = %scan3A_29 to %scan3A_31 step %scan3A_32  : i32 {
      %swap3A = arith.index_cast %scan3A_75 : i32 to index
      %swap3A_76 = arith.constant 0 : index
      %swap3A_77 = tpu.vector_load %arg13[%swap3A, %swap3A_76] {strides = array<i32>} : memref<144x128xf32, #tpu.memory_space<vmem>>, vector<16xf32>,
      tpu.vector_store %arg13[%swap3A, %swap3A_76], %broadcast_in_dim3A_0 {strides = array<i32>} : memref<144x128xf32, #tpu.memory_space<vmem>>, vector<16xf32>,
      %swap3A_78 = arith.index_cast %scan3A_75 : i32 to index
      %swap3A_79 = arith.constant 16 : index
      %swap3A_80 = tpu.vector_load %arg13[%swap3A_78, %swap3A_79] {strides = array<i32>} : memref<144x128xf32, #tpu.memory_space<vmem>>, vector<16xf32>,
      tpu.vector_store %arg13[%swap3A_78, %swap3A_79], %broadcast_in_dim3A_0 {strides = array<i32>} : memref<144x128xf32, #tpu.memory_space<vmem>>, vector<16xf32>,
      %swap3A_81 = arith.index_cast %scan3A_75 : i32 to index
      %swap3A_82 = arith.constant 32 : index
      %swap3A_83 = tpu.vector_load %arg13[%swap3A_81, %swap3A_82] {strides = array<i32>} : memref<144x128xf32, #tpu.memory_space<vmem>>, vector<16xf32>,
      tpu.vector_store %arg13[%swap3A_81, %swap3A_82], %broadcast_in_dim3A_0 {strides = array<i32>} : memref<144x128xf32, #tpu.memory_space<vmem>>, vector<16xf32>,
      %swap3A_84 = arith.index_cast %scan3A_75 : i32 to index
      %swap3A_85 = arith.constant 48 : index
      %swap3A_86 = tpu.vector_load %arg13[%swap3A_84, %swap3A_85] {strides = array<i32>} : memref<144x128xf32, #tpu.memory_space<vmem>>, vector<16xf32>,
      tpu.vector_store %arg13[%swap3A_84, %swap3A_85], %broadcast_in_dim3A_0 {strides = array<i32>} : memref<144x128xf32, #tpu.memory_space<vmem>>, vector<16xf32>,
      %swap3A_87 = arith.index_cast %scan3A_75 : i32 to index
      %swap3A_88 = arith.constant 64 : index
      %swap3A_89 = tpu.vector_load %arg13[%swap3A_87, %swap3A_88] {strides = array<i32>} : memref<144x128xf32, #tpu.memory_space<vmem>>, vector<16xf32>,
      tpu.vector_store %arg13[%swap3A_87, %swap3A_88], %broadcast_in_dim3A_0 {strides = array<i32>} : memref<144x128xf32, #tpu.memory_space<vmem>>, vector<16xf32>,
      %swap3A_90 = arith.index_cast %scan3A_75 : i32 to index
      %swap3A_91 = arith.constant 80 : index
      %swap3A_92 = tpu.vector_load %arg13[%swap3A_90, %swap3A_91] {strides = array<i32>} : memref<144x128xf32, #tpu.memory_space<vmem>>, vector<16xf32>,
      tpu.vector_store %arg13[%swap3A_90, %swap3A_91], %broadcast_in_dim3A_0 {strides = array<i32>} : memref<144x128xf32, #tpu.memory_space<vmem>>, vector<16xf32>,
      %swap3A_93 = arith.index_cast %scan3A_75 : i32 to index
      %swap3A_94 = arith.constant 96 : index
      %swap3A_95 = tpu.vector_load %arg13[%swap3A_93, %swap3A_94] {strides = array<i32>} : memref<144x128xf32, #tpu.memory_space<vmem>>, vector<16xf32>,
      tpu.vector_store %arg13[%swap3A_93, %swap3A_94], %broadcast_in_dim3A_0 {strides = array<i32>} : memref<144x128xf32, #tpu.memory_space<vmem>>, vector<16xf32>,
      %swap3A_96 = arith.index_cast %scan3A_75 : i32 to index
      %swap3A_97 = arith.constant 112 : index
      %swap3A_98 = tpu.vector_load %arg13[%swap3A_96, %swap3A_97] {strides = array<i32>} : memref<144x128xf32, #tpu.memory_space<vmem>>, vector<16xf32>,
      tpu.vector_store %arg13[%swap3A_96, %swap3A_97], %broadcast_in_dim3A_0 {strides = array<i32>} : memref<144x128xf32, #tpu.memory_space<vmem>>, vector<16xf32>,
    }
    %scan3A_33 = arith.constant 72 : i32
    %mul3A_34 = arith.constant 72 : i32
    %mul3A_35 = arith.muli %arg1, %mul3A_34 : i32
    "tpu.region"() ({
      %run_scoped3A = tpu.sem_alloc : memref<!tpu.dma_semaphore, #tpu.memory_space<semaphore_mem>>
      %dma_start3A_75 = arith.constant 0 : i32
      %dma_start3A_76 = arith.constant 0 : i32
      %dma_start3A_77 = tpu.memref_slice %arg13[%dma_start3A_75, %dma_start3A_76] : memref<144x128xf32, #tpu.memory_space<vmem>> -> memref<72x128xf32, #tpu.memory_space<vmem>>
      %dma_start3A_78 = arith.constant 0 : i32
      %dma_start3A_79 = tpu.memref_slice %arg8[%mul3A_35, %dma_start3A_78] : memref<1152x128xf32, #tpu.memory_space<vmem_shared>> -> memref<72x128xf32, #tpu.memory_space<vmem_shared>>
      %dma_start3A_80 = arith.constant 0 : i32
      %dma_start3A_81 = tpu.memref_slice %arg8[%mul3A_35, %dma_start3A_80] : memref<1152x128xf32, #tpu.memory_space<vmem_shared>> -> memref<72x128xf32, #tpu.memory_space<vmem_shared>>
      %dma_start3A_82 = arith.constant 0 : i32
      %dma_start3A_83 = arith.constant 0 : i32
      %dma_start3A_84 = tpu.memref_slice %arg13[%dma_start3A_82, %dma_start3A_83] : memref<144x128xf32, #tpu.memory_space<vmem>> -> memref<72x128xf32, #tpu.memory_space<vmem>>
      tpu.enqueue_dma source(%dma_start3A_84 : memref<72x128xf32, #tpu.memory_space<vmem>>) target(%dma_start3A_81 : memref<72x128xf32, #tpu.memory_space<vmem_shared>>) target_semaphore(%run_scoped3A : memref<!tpu.dma_semaphore, #tpu.memory_space<semaphore_mem>>)
      %dma_wait3A = arith.constant 0 : i32
      %dma_wait3A_85 = arith.constant 0 : i32
      %dma_wait3A_86 = tpu.memref_slice %arg13[%dma_wait3A, %dma_wait3A_85] : memref<144x128xf32, #tpu.memory_space<vmem>> -> memref<72x128xf32, #tpu.memory_space<vmem>>
      %dma_wait3A_87 = arith.constant 0 : i32
      %dma_wait3A_88 = tpu.memref_slice %arg8[%mul3A_35, %dma_wait3A_87] : memref<1152x128xf32, #tpu.memory_space<vmem_shared>> -> memref<72x128xf32, #tpu.memory_space<vmem_shared>>
      %dma_wait3A_89 = arith.constant 0 : i32
      %dma_wait3A_90 = tpu.memref_slice %arg8[%mul3A_35, %dma_wait3A_89] : memref<1152x128xf32, #tpu.memory_space<vmem_shared>> -> memref<72x128xf32, #tpu.memory_space<vmem_shared>>
      %dma_wait3A_91 = arith.constant 0 : i32
      %dma_wait3A_92 = arith.constant 0 : i32
      %dma_wait3A_93 = tpu.memref_slice %arg13[%dma_wait3A_91, %dma_wait3A_92] : memref<144x128xf32, #tpu.memory_space<vmem>> -> memref<72x128xf32, #tpu.memory_space<vmem>>
      tpu.wait_dma2 semaphore(%run_scoped3A : memref<!tpu.dma_semaphore, #tpu.memory_space<semaphore_mem>>) src(%dma_wait3A_93 : memref<72x128xf32, #tpu.memory_space<vmem>>) dst(%dma_wait3A_90 : memref<72x128xf32, #tpu.memory_space<vmem_shared>>)
      tpu.yield
    }) : () -> ()
    %barrier3A = arith.constant 0 : index
    tpu.barrier barrier_id(%barrier3A)
    %add3A_36 = arith.constant 0 : i32
    %add3A_37 = arith.addi %add3A, %add3A_36 : i32
    "tpu.region"() ({
      %run_scoped3A = tpu.sem_alloc : memref<!tpu.dma_semaphore, #tpu.memory_space<semaphore_mem>>
      %dma_start3A_75 = arith.constant 0 : i32
      %dma_start3A_76 = tpu.memref_slice %arg15[%dma_start3A_75] : memref<240xi32, #tpu.memory_space<vmem>> -> memref<80xi32, #tpu.memory_space<vmem>>
      %dma_start3A_77 = tpu.memref_slice %arg2[%add3A_37] : memref<320000xi32, #tpu.memory_space<hbm>> -> memref<80xi32, #tpu.memory_space<hbm>>
      %dma_start3A_78 = arith.constant 0 : i32
      %dma_start3A_79 = tpu.memref_slice %arg15[%dma_start3A_78] : memref<240xi32, #tpu.memory_space<vmem>> -> memref<80xi32, #tpu.memory_space<vmem>>
      %dma_start3A_80 = tpu.memref_slice %arg2[%add3A_37] : memref<320000xi32, #tpu.memory_space<hbm>> -> memref<80xi32, #tpu.memory_space<hbm>>
      tpu.enqueue_dma source(%dma_start3A_80 : memref<80xi32, #tpu.memory_space<hbm>>) target(%dma_start3A_79 : memref<80xi32, #tpu.memory_space<vmem>>) target_semaphore(%run_scoped3A : memref<!tpu.dma_semaphore, #tpu.memory_space<semaphore_mem>>)
      %dma_wait3A = arith.constant 0 : i32
      %dma_wait3A_81 = tpu.memref_slice %arg15[%dma_wait3A] : memref<240xi32, #tpu.memory_space<vmem>> -> memref<80xi32, #tpu.memory_space<vmem>>
      %dma_wait3A_82 = tpu.memref_slice %arg2[%add3A_37] : memref<320000xi32, #tpu.memory_space<hbm>> -> memref<80xi32, #tpu.memory_space<hbm>>
      %dma_wait3A_83 = arith.constant 0 : i32
      %dma_wait3A_84 = tpu.memref_slice %arg15[%dma_wait3A_83] : memref<240xi32, #tpu.memory_space<vmem>> -> memref<80xi32, #tpu.memory_space<vmem>>
      %dma_wait3A_85 = tpu.memref_slice %arg2[%add3A_37] : memref<320000xi32, #tpu.memory_space<hbm>> -> memref<80xi32, #tpu.memory_space<hbm>>
      tpu.wait_dma2 semaphore(%run_scoped3A : memref<!tpu.dma_semaphore, #tpu.memory_space<semaphore_mem>>) src(%dma_wait3A_85 : memref<80xi32, #tpu.memory_space<hbm>>) dst(%dma_wait3A_84 : memref<80xi32, #tpu.memory_space<vmem>>)
      tpu.yield
    }) : () -> ()
    %add3A_38 = arith.constant 0 : i32
    %add3A_39 = arith.addi %add3A, %add3A_38 : i32
    %dma_start3A = arith.constant 0 : i32
    %dma_start3A_40 = arith.constant 0 : i32
    %dma_start3A_41 = tpu.memref_slice %arg11[%dma_start3A, %dma_start3A_40] : memref<160x128xf32, #tpu.memory_space<vmem>> -> memref<80x128xf32, #tpu.memory_space<vmem>>
    %dma_start3A_42 = arith.constant 0 : i32
    %dma_start3A_43 = tpu.memref_slice %arg4[%add3A_39, %dma_start3A_42] : memref<320000x128xf32, #tpu.memory_space<hbm>> -> memref<80x128xf32, #tpu.memory_space<hbm>>
    %dma_start3A_44 = arith.constant 0 : i32
    %dma_start3A_45 = arith.constant 0 : i32
    %dma_start3A_46 = tpu.memref_slice %arg11[%dma_start3A_44, %dma_start3A_45] : memref<160x128xf32, #tpu.memory_space<vmem>> -> memref<80x128xf32, #tpu.memory_space<vmem>>
    %dma_start3A_47 = arith.constant 0 : i32
    %dma_start3A_48 = tpu.memref_slice %arg4[%add3A_39, %dma_start3A_47] : memref<320000x128xf32, #tpu.memory_space<hbm>> -> memref<80x128xf32, #tpu.memory_space<hbm>>
    tpu.enqueue_dma source(%dma_start3A_48 : memref<80x128xf32, #tpu.memory_space<hbm>>) target(%dma_start3A_46 : memref<80x128xf32, #tpu.memory_space<vmem>>) target_semaphore(%arg19 : memref<!tpu.dma_semaphore, #tpu.memory_space<semaphore_mem>>)
    %dma_start3A_49 = arith.constant 0 : i32
    %dma_start3A_50 = arith.constant 0 : i32
    %dma_start3A_51 = tpu.memref_slice %arg12[%dma_start3A_49, %dma_start3A_50] : memref<160x128xf32, #tpu.memory_space<vmem>> -> memref<80x128xf32, #tpu.memory_space<vmem>>
    %dma_start3A_52 = arith.constant 0 : i32
    %dma_start3A_53 = tpu.memref_slice %arg15[%dma_start3A_52] : memref<240xi32, #tpu.memory_space<vmem>> -> memref<80xi32, #tpu.memory_space<vmem>>
    %dma_start3A_54 = arith.constant 0 : i32
    %dma_start3A_55 = arith.constant 0 : i32
    %dma_start3A_56 = tpu.memref_slice %arg3[%dma_start3A_54, %dma_start3A_55] : memref<10000x128xf32, #tpu.memory_space<hbm>> -> memref<10000x128xf32, #tpu.memory_space<hbm>>
    tpu.enqueue_indirect_dma source(%dma_start3A_56 : memref<10000x128xf32, #tpu.memory_space<hbm>>) target(%dma_start3A_51 : memref<80x128xf32, #tpu.memory_space<vmem>>) offsets(%dma_start3A_53 : memref<80xi32, #tpu.memory_space<vmem>>) semaphore(%arg20 : memref<!tpu.dma_semaphore, #tpu.memory_space<semaphore_mem>>)
    %add3A_57 = arith.constant 80 : i32
    %add3A_58 = arith.addi %add3A, %add3A_57 : i32
    %dma_start3A_59 = arith.constant 80 : i32
    %dma_start3A_60 = tpu.memref_slice %arg15[%dma_start3A_59] : memref<240xi32, #tpu.memory_space<vmem>> -> memref<80xi32, #tpu.memory_space<vmem>>
    %dma_start3A_61 = tpu.memref_slice %arg2[%add3A_58] : memref<320000xi32, #tpu.memory_space<hbm>> -> memref<80xi32, #tpu.memory_space<hbm>>
    %dma_start3A_62 = arith.constant 80 : i32
    %dma_start3A_63 = tpu.memref_slice %arg15[%dma_start3A_62] : memref<240xi32, #tpu.memory_space<vmem>> -> memref<80xi32, #tpu.memory_space<vmem>>
    %dma_start3A_64 = tpu.memref_slice %arg2[%add3A_58] : memref<320000xi32, #tpu.memory_space<hbm>> -> memref<80xi32, #tpu.memory_space<hbm>>
    tpu.enqueue_dma source(%dma_start3A_64 : memref<80xi32, #tpu.memory_space<hbm>>) target(%dma_start3A_63 : memref<80xi32, #tpu.memory_space<vmem>>) target_semaphore(%arg18 : memref<!tpu.dma_semaphore, #tpu.memory_space<semaphore_mem>>)
    %scan3A_65 = arith.constant 0 : i32
    %scan3A_66 = arith.constant 0 : i32
    %scan3A_67 = arith.constant 125 : i32
    %scan3A_68 = arith.addi %scan3A_66, %scan3A_67 : i32
    %scan3A_69 = arith.constant 1 : i32
    %scan3A_70 = scf.for %scan3A_75 = %scan3A_66 to %scan3A_68 step %scan3A_69 iter_args(%scan3A_76 = %scan3A_65) -> (i32)  : i32 {
      %and3A = arith.constant 1 : i32
      %and3A_77 = arith.andi %scan3A_75, %and3A : i32
      %sub3A = arith.constant 1 : i32
      %sub3A_78 = arith.subi %sub3A, %and3A_77 : i32
      %mul3A_79 = arith.constant 80 : i32
      %mul3A_80 = arith.muli %scan3A_75, %mul3A_79 : i32
      %add3A_81 = arith.addi %add3A, %mul3A_80 : i32
      %add3A_82 = arith.constant 1 : i32
      %add3A_83 = arith.addi %scan3A_75, %add3A_82 : i32
      %mul3A_84 = arith.constant 80 : i32
      %mul3A_85 = arith.muli %and3A_77, %mul3A_84 : i32
      %mul3A_86 = arith.constant 80 : i32
      %mul3A_87 = arith.muli %and3A_77, %mul3A_86 : i32
      %jit3A = arith.constant 3 : i32
      %eq3A_88 = arith.constant 0 : i32
      %eq3A_89 = arith.cmpi eq, %jit3A, %eq3A_88 : i32
      %jit3A_90 = arith.constant 1 : i32
      %select_n3A = arith.select %eq3A_89, %jit3A_90, %jit3A : i32
      %rem3A = arith.remsi %scan3A_75, %select_n3A : i32
      %ne3A = arith.constant 0 : i32
      %ne3A_91 = arith.cmpi ne, %rem3A, %ne3A : i32
      %lt3A = arith.constant 0 : i32
      %lt3A_92 = arith.cmpi slt, %rem3A, %lt3A : i32
      %lt3A_93 = arith.constant 0 : i32
      %lt3A_94 = arith.cmpi slt, %select_n3A, %lt3A_93 : i32
      %ne3A_95 = arith.xori %lt3A_92, %lt3A_94 : i1
      %and3A_96 = arith.andi %ne3A_95, %ne3A_91 : i1
      %add3A_97 = arith.addi %rem3A, %select_n3A : i32
      %select_n3A_98 = arith.select %and3A_96, %add3A_97, %rem3A : i32
      %mul3A_99 = arith.constant 80 : i32
      %mul3A_100 = arith.muli %select_n3A_98, %mul3A_99 : i32
      %jit3A_101 = arith.constant 3 : i32
      %eq3A_102 = arith.constant 0 : i32
      %eq3A_103 = arith.cmpi eq, %jit3A_101, %eq3A_102 : i32
      %jit3A_104 = arith.constant 1 : i32
      %select_n3A_105 = arith.select %eq3A_103, %jit3A_104, %jit3A_101 : i32
      %rem3A_106 = arith.remsi %add3A_83, %select_n3A_105 : i32
      %ne3A_107 = arith.constant 0 : i32
      %ne3A_108 = arith.cmpi ne, %rem3A_106, %ne3A_107 : i32
      %lt3A_109 = arith.constant 0 : i32
      %lt3A_110 = arith.cmpi slt, %rem3A_106, %lt3A_109 : i32
      %lt3A_111 = arith.constant 0 : i32
      %lt3A_112 = arith.cmpi slt, %select_n3A_105, %lt3A_111 : i32
      %ne3A_113 = arith.xori %lt3A_110, %lt3A_112 : i1
      %and3A_114 = arith.andi %ne3A_113, %ne3A_108 : i1
      %add3A_115 = arith.addi %rem3A_106, %select_n3A_105 : i32
      %select_n3A_116 = arith.select %and3A_114, %add3A_115, %rem3A_106 : i32
      %mul3A_117 = arith.constant 80 : i32
      %mul3A_118 = arith.muli %select_n3A_116, %mul3A_117 : i32
      %mul3A_119 = arith.constant 80 : i32
      %mul3A_120 = arith.muli %scan3A_75, %mul3A_119 : i32
      %add3A_121 = arith.addi %add3A, %mul3A_120 : i32
      %dma_wait3A = arith.constant 0 : i32
      %dma_wait3A_122 = tpu.memref_slice %arg11[%mul3A_85, %dma_wait3A] : memref<160x128xf32, #tpu.memory_space<vmem>> -> memref<80x128xf32, #tpu.memory_space<vmem>>
      %dma_wait3A_123 = arith.constant 0 : i32
      %dma_wait3A_124 = tpu.memref_slice %arg4[%add3A_121, %dma_wait3A_123] : memref<320000x128xf32, #tpu.memory_space<hbm>> -> memref<80x128xf32, #tpu.memory_space<hbm>>
      %dma_wait3A_125 = arith.constant 0 : i32
      %dma_wait3A_126 = tpu.memref_slice %arg11[%mul3A_85, %dma_wait3A_125] : memref<160x128xf32, #tpu.memory_space<vmem>> -> memref<80x128xf32, #tpu.memory_space<vmem>>
      %dma_wait3A_127 = arith.constant 0 : i32
      %dma_wait3A_128 = tpu.memref_slice %arg4[%add3A_121, %dma_wait3A_127] : memref<320000x128xf32, #tpu.memory_space<hbm>> -> memref<80x128xf32, #tpu.memory_space<hbm>>
      tpu.wait_dma2 semaphore(%arg19 : memref<!tpu.dma_semaphore, #tpu.memory_space<semaphore_mem>>) src(%dma_wait3A_128 : memref<80x128xf32, #tpu.memory_space<hbm>>) dst(%dma_wait3A_126 : memref<80x128xf32, #tpu.memory_space<vmem>>)
      %dma_wait3A_129 = arith.constant 0 : i32
      %dma_wait3A_130 = tpu.memref_slice %arg12[%mul3A_87, %dma_wait3A_129] : memref<160x128xf32, #tpu.memory_space<vmem>> -> memref<80x128xf32, #tpu.memory_space<vmem>>
      %dma_wait3A_131 = tpu.memref_slice %arg15[%mul3A_100] : memref<240xi32, #tpu.memory_space<vmem>> -> memref<80xi32, #tpu.memory_space<vmem>>
      %dma_wait3A_132 = arith.constant 0 : i32
      %dma_wait3A_133 = arith.constant 0 : i32
      %dma_wait3A_134 = tpu.memref_slice %arg3[%dma_wait3A_132, %dma_wait3A_133] : memref<10000x128xf32, #tpu.memory_space<hbm>> -> memref<10000x128xf32, #tpu.memory_space<hbm>>
      tpu.wait_indirect_dma semaphore(%arg20 : memref<!tpu.dma_semaphore, #tpu.memory_space<semaphore_mem>>) src(%dma_wait3A_134 : memref<10000x128xf32, #tpu.memory_space<hbm>>) dst(%dma_wait3A_130 : memref<80x128xf32, #tpu.memory_space<vmem>>)
      %lt3A_135 = arith.constant 125 : i32
      %lt3A_136 = arith.cmpi slt, %add3A_83, %lt3A_135 : i32
      %convert_element_type3A = arith.extui %lt3A_136 : i1 to i32
      %cond3A = arith.constant 0 : i32
      %cond3A_137 = arith.cmpi ne, %convert_element_type3A, %cond3A : i32
      scf.if %cond3A_137 {
        %mul3A_225 = arith.constant 80 : i32
        %mul3A_226 = arith.muli %add3A_83, %mul3A_225 : i32
        %add3A_227 = arith.addi %add3A, %mul3A_226 : i32
        %dma_wait3A_228 = tpu.memref_slice %arg15[%mul3A_118] : memref<240xi32, #tpu.memory_space<vmem>> -> memref<80xi32, #tpu.memory_space<vmem>>
        %dma_wait3A_229 = tpu.memref_slice %arg2[%add3A_227] : memref<320000xi32, #tpu.memory_space<hbm>> -> memref<80xi32, #tpu.memory_space<hbm>>
        %dma_wait3A_230 = tpu.memref_slice %arg15[%mul3A_118] : memref<240xi32, #tpu.memory_space<vmem>> -> memref<80xi32, #tpu.memory_space<vmem>>
        %dma_wait3A_231 = tpu.memref_slice %arg2[%add3A_227] : memref<320000xi32, #tpu.memory_space<hbm>> -> memref<80xi32, #tpu.memory_space<hbm>>
        tpu.wait_dma2 semaphore(%arg18 : memref<!tpu.dma_semaphore, #tpu.memory_space<semaphore_mem>>) src(%dma_wait3A_231 : memref<80xi32, #tpu.memory_space<hbm>>) dst(%dma_wait3A_230 : memref<80xi32, #tpu.memory_space<vmem>>)
        %mul3A_232 = arith.constant 80 : i32
        %mul3A_233 = arith.muli %add3A_83, %mul3A_232 : i32
        %add3A_234 = arith.addi %add3A, %mul3A_233 : i32
        %mul3A_235 = arith.constant 80 : i32
        %mul3A_236 = arith.muli %sub3A_78, %mul3A_235 : i32
        %dma_start3A_237 = arith.constant 0 : i32
        %dma_start3A_238 = tpu.memref_slice %arg11[%mul3A_236, %dma_start3A_237] : memref<160x128xf32, #tpu.memory_space<vmem>> -> memref<80x128xf32, #tpu.memory_space<vmem>>
        %dma_start3A_239 = arith.constant 0 : i32
        %dma_start3A_240 = tpu.memref_slice %arg4[%add3A_234, %dma_start3A_239] : memref<320000x128xf32, #tpu.memory_space<hbm>> -> memref<80x128xf32, #tpu.memory_space<hbm>>
        %dma_start3A_241 = arith.constant 0 : i32
        %dma_start3A_242 = tpu.memref_slice %arg11[%mul3A_236, %dma_start3A_241] : memref<160x128xf32, #tpu.memory_space<vmem>> -> memref<80x128xf32, #tpu.memory_space<vmem>>
        %dma_start3A_243 = arith.constant 0 : i32
        %dma_start3A_244 = tpu.memref_slice %arg4[%add3A_234, %dma_start3A_243] : memref<320000x128xf32, #tpu.memory_space<hbm>> -> memref<80x128xf32, #tpu.memory_space<hbm>>
        tpu.enqueue_dma source(%dma_start3A_244 : memref<80x128xf32, #tpu.memory_space<hbm>>) target(%dma_start3A_242 : memref<80x128xf32, #tpu.memory_space<vmem>>) target_semaphore(%arg19 : memref<!tpu.dma_semaphore, #tpu.memory_space<semaphore_mem>>)
        %mul3A_245 = arith.constant 80 : i32
        %mul3A_246 = arith.muli %sub3A_78, %mul3A_245 : i32
        %dma_start3A_247 = arith.constant 0 : i32
        %dma_start3A_248 = tpu.memref_slice %arg12[%mul3A_246, %dma_start3A_247] : memref<160x128xf32, #tpu.memory_space<vmem>> -> memref<80x128xf32, #tpu.memory_space<vmem>>
        %dma_start3A_249 = tpu.memref_slice %arg15[%mul3A_118] : memref<240xi32, #tpu.memory_space<vmem>> -> memref<80xi32, #tpu.memory_space<vmem>>
        %dma_start3A_250 = arith.constant 0 : i32
        %dma_start3A_251 = arith.constant 0 : i32
        %dma_start3A_252 = tpu.memref_slice %arg3[%dma_start3A_250, %dma_start3A_251] : memref<10000x128xf32, #tpu.memory_space<hbm>> -> memref<10000x128xf32, #tpu.memory_space<hbm>>
        tpu.enqueue_indirect_dma source(%dma_start3A_252 : memref<10000x128xf32, #tpu.memory_space<hbm>>) target(%dma_start3A_248 : memref<80x128xf32, #tpu.memory_space<vmem>>) offsets(%dma_start3A_249 : memref<80xi32, #tpu.memory_space<vmem>>) semaphore(%arg20 : memref<!tpu.dma_semaphore, #tpu.memory_space<semaphore_mem>>)
      } else {
      }
      %add3A_138 = arith.constant 2 : i32
      %add3A_139 = arith.addi %scan3A_75, %add3A_138 : i32
      %lt3A_140 = arith.constant 125 : i32
      %lt3A_141 = arith.cmpi slt, %add3A_139, %lt3A_140 : i32
      %convert_element_type3A_142 = arith.extui %lt3A_141 : i1 to i32
      %cond3A_143 = arith.constant 0 : i32
      %cond3A_144 = arith.cmpi ne, %convert_element_type3A_142, %cond3A_143 : i32
      scf.if %cond3A_144 {
        %add3A_225 = arith.constant 2 : i32
        %add3A_226 = arith.addi %scan3A_75, %add3A_225 : i32
        %mul3A_227 = arith.constant 80 : i32
        %mul3A_228 = arith.muli %add3A_226, %mul3A_227 : i32
        %add3A_229 = arith.addi %add3A, %mul3A_228 : i32
        %add3A_230 = arith.constant 2 : i32
        %add3A_231 = arith.addi %scan3A_75, %add3A_230 : i32
        %jit3A_232 = arith.constant 3 : i32
        %eq3A_233 = arith.constant 0 : i32
        %eq3A_234 = arith.cmpi eq, %jit3A_232, %eq3A_233 : i32
        %jit3A_235 = arith.constant 1 : i32
        %select_n3A_236 = arith.select %eq3A_234, %jit3A_235, %jit3A_232 : i32
        %rem3A_237 = arith.remsi %add3A_231, %select_n3A_236 : i32
        %ne3A_238 = arith.constant 0 : i32
        %ne3A_239 = arith.cmpi ne, %rem3A_237, %ne3A_238 : i32
        %lt3A_240 = arith.constant 0 : i32
        %lt3A_241 = arith.cmpi slt, %rem3A_237, %lt3A_240 : i32
        %lt3A_242 = arith.constant 0 : i32
        %lt3A_243 = arith.cmpi slt, %select_n3A_236, %lt3A_242 : i32
        %ne3A_244 = arith.xori %lt3A_241, %lt3A_243 : i1
        %and3A_245 = arith.andi %ne3A_244, %ne3A_239 : i1
        %add3A_246 = arith.addi %rem3A_237, %select_n3A_236 : i32
        %select_n3A_247 = arith.select %and3A_245, %add3A_246, %rem3A_237 : i32
        %mul3A_248 = arith.constant 80 : i32
        %mul3A_249 = arith.muli %select_n3A_247, %mul3A_248 : i32
        %dma_start3A_250 = tpu.memref_slice %arg15[%mul3A_249] : memref<240xi32, #tpu.memory_space<vmem>> -> memref<80xi32, #tpu.memory_space<vmem>>
        %dma_start3A_251 = tpu.memref_slice %arg2[%add3A_229] : memref<320000xi32, #tpu.memory_space<hbm>> -> memref<80xi32, #tpu.memory_space<hbm>>
        %dma_start3A_252 = tpu.memref_slice %arg15[%mul3A_249] : memref<240xi32, #tpu.memory_space<vmem>> -> memref<80xi32, #tpu.memory_space<vmem>>
        %dma_start3A_253 = tpu.memref_slice %arg2[%add3A_229] : memref<320000xi32, #tpu.memory_space<hbm>> -> memref<80xi32, #tpu.memory_space<hbm>>
        tpu.enqueue_dma source(%dma_start3A_253 : memref<80xi32, #tpu.memory_space<hbm>>) target(%dma_start3A_252 : memref<80xi32, #tpu.memory_space<vmem>>) target_semaphore(%arg18 : memref<!tpu.dma_semaphore, #tpu.memory_space<semaphore_mem>>)
      } else {
      }
      %scan3A_145 = arith.constant 0 : i32
      %scan3A_146 = arith.constant 0 : i32
      %scan3A_147 = arith.constant 5 : i32
      %scan3A_148 = arith.addi %scan3A_146, %scan3A_147 : i32
      %scan3A_149 = arith.constant 1 : i32
      %scan3A_150 = scf.for %scan3A_225 = %scan3A_146 to %scan3A_148 step %scan3A_149 iter_args(%scan3A_226 = %scan3A_145) -> (i32)  : i32 {
        %mul3A_227 = arith.constant 16 : i32
        %mul3A_228 = arith.muli %scan3A_225, %mul3A_227 : i32
        %add3A_229 = vector.broadcast %mul3A_228 : i32 to vector<16xi32>
        %add3A_230 = arith.addi %add3A_229, %iota3A : vector<16xi32>
        %add3A_231 = vector.broadcast %mul3A_85 : i32 to vector<16xi32>
        %add3A_232 = arith.addi %add3A_230, %add3A_231 : vector<16xi32>
        %add3A_233 = vector.broadcast %mul3A_87 : i32 to vector<16xi32>
        %add3A_234 = arith.addi %add3A_230, %add3A_233 : vector<16xi32>
        %broadcast_in_dim3A_235 = arith.constant 0.000000e+00 : f32
        %broadcast_in_dim3A_236 = vector.broadcast %broadcast_in_dim3A_235 : f32 to vector<16xf32>
        %broadcast_in_dim3A_237 = arith.constant 0.000000e+00 : f32
        %broadcast_in_dim3A_238 = vector.broadcast %broadcast_in_dim3A_237 : f32 to vector<16xf32>
        %broadcast_in_dim3A_239 = arith.constant 0.000000e+00 : f32
        %broadcast_in_dim3A_240 = vector.broadcast %broadcast_in_dim3A_239 : f32 to vector<16xf32>
        %broadcast_in_dim3A_241 = arith.constant 0.000000e+00 : f32
        %broadcast_in_dim3A_242 = vector.broadcast %broadcast_in_dim3A_241 : f32 to vector<16xf32>
        %broadcast_in_dim3A_243 = arith.constant 0.000000e+00 : f32
        %broadcast_in_dim3A_244 = vector.broadcast %broadcast_in_dim3A_243 : f32 to vector<16xf32>
        %broadcast_in_dim3A_245 = arith.constant 0.000000e+00 : f32
        %broadcast_in_dim3A_246 = vector.broadcast %broadcast_in_dim3A_245 : f32 to vector<16xf32>
        %broadcast_in_dim3A_247 = arith.constant 0.000000e+00 : f32
        %broadcast_in_dim3A_248 = vector.broadcast %broadcast_in_dim3A_247 : f32 to vector<16xf32>
        %broadcast_in_dim3A_249 = arith.constant 0.000000e+00 : f32
        %broadcast_in_dim3A_250 = vector.broadcast %broadcast_in_dim3A_249 : f32 to vector<16xf32>
        %scan3A_251 = arith.constant 0 : i32
        %scan3A_252 = arith.constant 8 : i32
        %scan3A_253 = arith.addi %scan3A_251, %scan3A_252 : i32
        %scan3A_254 = arith.constant 1 : i32
        %scan3A_255:9 = scf.for %scan3A_326 = %scan3A_251 to %scan3A_253 step %scan3A_254 iter_args(%scan3A_327 = %iota3A, %scan3A_328 = %broadcast_in_dim3A_236, %scan3A_329 = %broadcast_in_dim3A_238, %scan3A_330 = %broadcast_in_dim3A_240, %scan3A_331 = %broadcast_in_dim3A_242, %scan3A_332 = %broadcast_in_dim3A_244, %scan3A_333 = %broadcast_in_dim3A_246, %scan3A_334 = %broadcast_in_dim3A_248, %scan3A_335 = %broadcast_in_dim3A_250) -> (vector<16xi32>, vector<16xf32>, vector<16xf32>, vector<16xf32>, vector<16xf32>, vector<16xf32>, vector<16xf32>, vector<16xf32>, vector<16xf32>)  : i32 {
          %add3A_336 = arith.constant 0 : i32
          %add3A_337 = vector.broadcast %add3A_336 : i32 to vector<16xi32>
          %add3A_338 = arith.addi %scan3A_327, %add3A_337 : vector<16xi32>
          %and3A_339 = arith.constant 15 : i32
          %and3A_340 = vector.broadcast %and3A_339 : i32 to vector<16xi32>
          %and3A_341 = arith.andi %add3A_338, %and3A_340 : vector<16xi32>
          %gather3A_342 = tpu.vector_load_idx %arg11[%add3A_232, %and3A_341] : memref<160x128xf32, #tpu.memory_space<vmem>>[vector<16xi32>, vector<16xi32>], vector<16xf32>,
          %gather3A_343 = tpu.vector_load_idx %arg12[%add3A_234, %and3A_341] : memref<160x128xf32, #tpu.memory_space<vmem>>[vector<16xi32>, vector<16xi32>], vector<16xf32>,
          %mul3A_344 = arith.mulf %gather3A_342, %gather3A_343 : vector<16xf32>
          %add3A_345 = arith.addf %scan3A_328, %mul3A_344 : vector<16xf32>
          %add3A_346 = arith.constant 16 : i32
          %add3A_347 = vector.broadcast %add3A_346 : i32 to vector<16xi32>
          %add3A_348 = arith.addi %and3A_341, %add3A_347 : vector<16xi32>
          %gather3A_349 = tpu.vector_load_idx %arg11[%add3A_232, %add3A_348] : memref<160x128xf32, #tpu.memory_space<vmem>>[vector<16xi32>, vector<16xi32>], vector<16xf32>,
          %gather3A_350 = tpu.vector_load_idx %arg12[%add3A_234, %add3A_348] : memref<160x128xf32, #tpu.memory_space<vmem>>[vector<16xi32>, vector<16xi32>], vector<16xf32>,
          %mul3A_351 = arith.mulf %gather3A_349, %gather3A_350 : vector<16xf32>
          %add3A_352 = arith.addf %scan3A_329, %mul3A_351 : vector<16xf32>
          %add3A_353 = arith.constant 16 : i32
          %add3A_354 = vector.broadcast %add3A_353 : i32 to vector<16xi32>
          %add3A_355 = arith.addi %add3A_348, %add3A_354 : vector<16xi32>
          %gather3A_356 = tpu.vector_load_idx %arg11[%add3A_232, %add3A_355] : memref<160x128xf32, #tpu.memory_space<vmem>>[vector<16xi32>, vector<16xi32>], vector<16xf32>,
          %gather3A_357 = tpu.vector_load_idx %arg12[%add3A_234, %add3A_355] : memref<160x128xf32, #tpu.memory_space<vmem>>[vector<16xi32>, vector<16xi32>], vector<16xf32>,
          %mul3A_358 = arith.mulf %gather3A_356, %gather3A_357 : vector<16xf32>
          %add3A_359 = arith.addf %scan3A_330, %mul3A_358 : vector<16xf32>
          %add3A_360 = arith.constant 16 : i32
          %add3A_361 = vector.broadcast %add3A_360 : i32 to vector<16xi32>
          %add3A_362 = arith.addi %add3A_355, %add3A_361 : vector<16xi32>
          %gather3A_363 = tpu.vector_load_idx %arg11[%add3A_232, %add3A_362] : memref<160x128xf32, #tpu.memory_space<vmem>>[vector<16xi32>, vector<16xi32>], vector<16xf32>,
          %gather3A_364 = tpu.vector_load_idx %arg12[%add3A_234, %add3A_362] : memref<160x128xf32, #tpu.memory_space<vmem>>[vector<16xi32>, vector<16xi32>], vector<16xf32>,
          %mul3A_365 = arith.mulf %gather3A_363, %gather3A_364 : vector<16xf32>
          %add3A_366 = arith.addf %scan3A_331, %mul3A_365 : vector<16xf32>
          %add3A_367 = arith.constant 16 : i32
          %add3A_368 = vector.broadcast %add3A_367 : i32 to vector<16xi32>
          %add3A_369 = arith.addi %add3A_362, %add3A_368 : vector<16xi32>
          %gather3A_370 = tpu.vector_load_idx %arg11[%add3A_232, %add3A_369] : memref<160x128xf32, #tpu.memory_space<vmem>>[vector<16xi32>, vector<16xi32>], vector<16xf32>,
          %gather3A_371 = tpu.vector_load_idx %arg12[%add3A_234, %add3A_369] : memref<160x128xf32, #tpu.memory_space<vmem>>[vector<16xi32>, vector<16xi32>], vector<16xf32>,
          %mul3A_372 = arith.mulf %gather3A_370, %gather3A_371 : vector<16xf32>
          %add3A_373 = arith.addf %scan3A_332, %mul3A_372 : vector<16xf32>
          %add3A_374 = arith.constant 16 : i32
          %add3A_375 = vector.broadcast %add3A_374 : i32 to vector<16xi32>
          %add3A_376 = arith.addi %add3A_369, %add3A_375 : vector<16xi32>
          %gather3A_377 = tpu.vector_load_idx %arg11[%add3A_232, %add3A_376] : memref<160x128xf32, #tpu.memory_space<vmem>>[vector<16xi32>, vector<16xi32>], vector<16xf32>,
          %gather3A_378 = tpu.vector_load_idx %arg12[%add3A_234, %add3A_376] : memref<160x128xf32, #tpu.memory_space<vmem>>[vector<16xi32>, vector<16xi32>], vector<16xf32>,
          %mul3A_379 = arith.mulf %gather3A_377, %gather3A_378 : vector<16xf32>
          %add3A_380 = arith.addf %scan3A_333, %mul3A_379 : vector<16xf32>
          %add3A_381 = arith.constant 16 : i32
          %add3A_382 = vector.broadcast %add3A_381 : i32 to vector<16xi32>
          %add3A_383 = arith.addi %add3A_376, %add3A_382 : vector<16xi32>
          %gather3A_384 = tpu.vector_load_idx %arg11[%add3A_232, %add3A_383] : memref<160x128xf32, #tpu.memory_space<vmem>>[vector<16xi32>, vector<16xi32>], vector<16xf32>,
          %gather3A_385 = tpu.vector_load_idx %arg12[%add3A_234, %add3A_383] : memref<160x128xf32, #tpu.memory_space<vmem>>[vector<16xi32>, vector<16xi32>], vector<16xf32>,
          %mul3A_386 = arith.mulf %gather3A_384, %gather3A_385 : vector<16xf32>
          %add3A_387 = arith.addf %scan3A_334, %mul3A_386 : vector<16xf32>
          %add3A_388 = arith.constant 16 : i32
          %add3A_389 = vector.broadcast %add3A_388 : i32 to vector<16xi32>
          %add3A_390 = arith.addi %add3A_383, %add3A_389 : vector<16xi32>
          %gather3A_391 = tpu.vector_load_idx %arg11[%add3A_232, %add3A_390] : memref<160x128xf32, #tpu.memory_space<vmem>>[vector<16xi32>, vector<16xi32>], vector<16xf32>,
          %gather3A_392 = tpu.vector_load_idx %arg12[%add3A_234, %add3A_390] : memref<160x128xf32, #tpu.memory_space<vmem>>[vector<16xi32>, vector<16xi32>], vector<16xf32>,
          %mul3A_393 = arith.mulf %gather3A_391, %gather3A_392 : vector<16xf32>
          %add3A_394 = arith.addf %scan3A_335, %mul3A_393 : vector<16xf32>
          %add3A_395 = arith.constant 1 : i32
          %add3A_396 = vector.broadcast %add3A_395 : i32 to vector<16xi32>
          %add3A_397 = arith.addi %scan3A_327, %add3A_396 : vector<16xi32>
          %and3A_398 = arith.constant 15 : i32
          %and3A_399 = vector.broadcast %and3A_398 : i32 to vector<16xi32>
          %and3A_400 = arith.andi %add3A_397, %and3A_399 : vector<16xi32>
          %gather3A_401 = tpu.vector_load_idx %arg11[%add3A_232, %and3A_400] : memref<160x128xf32, #tpu.memory_space<vmem>>[vector<16xi32>, vector<16xi32>], vector<16xf32>,
          %gather3A_402 = tpu.vector_load_idx %arg12[%add3A_234, %and3A_400] : memref<160x128xf32, #tpu.memory_space<vmem>>[vector<16xi32>, vector<16xi32>], vector<16xf32>,
          %mul3A_403 = arith.mulf %gather3A_401, %gather3A_402 : vector<16xf32>
          %add3A_404 = arith.addf %add3A_345, %mul3A_403 : vector<16xf32>
          %add3A_405 = arith.constant 16 : i32
          %add3A_406 = vector.broadcast %add3A_405 : i32 to vector<16xi32>
          %add3A_407 = arith.addi %and3A_400, %add3A_406 : vector<16xi32>
          %gather3A_408 = tpu.vector_load_idx %arg11[%add3A_232, %add3A_407] : memref<160x128xf32, #tpu.memory_space<vmem>>[vector<16xi32>, vector<16xi32>], vector<16xf32>,
          %gather3A_409 = tpu.vector_load_idx %arg12[%add3A_234, %add3A_407] : memref<160x128xf32, #tpu.memory_space<vmem>>[vector<16xi32>, vector<16xi32>], vector<16xf32>,
          %mul3A_410 = arith.mulf %gather3A_408, %gather3A_409 : vector<16xf32>
          %add3A_411 = arith.addf %add3A_352, %mul3A_410 : vector<16xf32>
          %add3A_412 = arith.constant 16 : i32
          %add3A_413 = vector.broadcast %add3A_412 : i32 to vector<16xi32>
          %add3A_414 = arith.addi %add3A_407, %add3A_413 : vector<16xi32>
          %gather3A_415 = tpu.vector_load_idx %arg11[%add3A_232, %add3A_414] : memref<160x128xf32, #tpu.memory_space<vmem>>[vector<16xi32>, vector<16xi32>], vector<16xf32>,
          %gather3A_416 = tpu.vector_load_idx %arg12[%add3A_234, %add3A_414] : memref<160x128xf32, #tpu.memory_space<vmem>>[vector<16xi32>, vector<16xi32>], vector<16xf32>,
          %mul3A_417 = arith.mulf %gather3A_415, %gather3A_416 : vector<16xf32>
          %add3A_418 = arith.addf %add3A_359, %mul3A_417 : vector<16xf32>
          %add3A_419 = arith.constant 16 : i32
          %add3A_420 = vector.broadcast %add3A_419 : i32 to vector<16xi32>
          %add3A_421 = arith.addi %add3A_414, %add3A_420 : vector<16xi32>
          %gather3A_422 = tpu.vector_load_idx %arg11[%add3A_232, %add3A_421] : memref<160x128xf32, #tpu.memory_space<vmem>>[vector<16xi32>, vector<16xi32>], vector<16xf32>,
          %gather3A_423 = tpu.vector_load_idx %arg12[%add3A_234, %add3A_421] : memref<160x128xf32, #tpu.memory_space<vmem>>[vector<16xi32>, vector<16xi32>], vector<16xf32>,
          %mul3A_424 = arith.mulf %gather3A_422, %gather3A_423 : vector<16xf32>
          %add3A_425 = arith.addf %add3A_366, %mul3A_424 : vector<16xf32>
          %add3A_426 = arith.constant 16 : i32
          %add3A_427 = vector.broadcast %add3A_426 : i32 to vector<16xi32>
          %add3A_428 = arith.addi %add3A_421, %add3A_427 : vector<16xi32>
          %gather3A_429 = tpu.vector_load_idx %arg11[%add3A_232, %add3A_428] : memref<160x128xf32, #tpu.memory_space<vmem>>[vector<16xi32>, vector<16xi32>], vector<16xf32>,
          %gather3A_430 = tpu.vector_load_idx %arg12[%add3A_234, %add3A_428] : memref<160x128xf32, #tpu.memory_space<vmem>>[vector<16xi32>, vector<16xi32>], vector<16xf32>,
          %mul3A_431 = arith.mulf %gather3A_429, %gather3A_430 : vector<16xf32>
          %add3A_432 = arith.addf %add3A_373, %mul3A_431 : vector<16xf32>
          %add3A_433 = arith.constant 16 : i32
          %add3A_434 = vector.broadcast %add3A_433 : i32 to vector<16xi32>
          %add3A_435 = arith.addi %add3A_428, %add3A_434 : vector<16xi32>
          %gather3A_436 = tpu.vector_load_idx %arg11[%add3A_232, %add3A_435] : memref<160x128xf32, #tpu.memory_space<vmem>>[vector<16xi32>, vector<16xi32>], vector<16xf32>,
          %gather3A_437 = tpu.vector_load_idx %arg12[%add3A_234, %add3A_435] : memref<160x128xf32, #tpu.memory_space<vmem>>[vector<16xi32>, vector<16xi32>], vector<16xf32>,
          %mul3A_438 = arith.mulf %gather3A_436, %gather3A_437 : vector<16xf32>
          %add3A_439 = arith.addf %add3A_380, %mul3A_438 : vector<16xf32>
          %add3A_440 = arith.constant 16 : i32
          %add3A_441 = vector.broadcast %add3A_440 : i32 to vector<16xi32>
          %add3A_442 = arith.addi %add3A_435, %add3A_441 : vector<16xi32>
          %gather3A_443 = tpu.vector_load_idx %arg11[%add3A_232, %add3A_442] : memref<160x128xf32, #tpu.memory_space<vmem>>[vector<16xi32>, vector<16xi32>], vector<16xf32>,
          %gather3A_444 = tpu.vector_load_idx %arg12[%add3A_234, %add3A_442] : memref<160x128xf32, #tpu.memory_space<vmem>>[vector<16xi32>, vector<16xi32>], vector<16xf32>,
          %mul3A_445 = arith.mulf %gather3A_443, %gather3A_444 : vector<16xf32>
          %add3A_446 = arith.addf %add3A_387, %mul3A_445 : vector<16xf32>
          %add3A_447 = arith.constant 16 : i32
          %add3A_448 = vector.broadcast %add3A_447 : i32 to vector<16xi32>
          %add3A_449 = arith.addi %add3A_442, %add3A_448 : vector<16xi32>
          %gather3A_450 = tpu.vector_load_idx %arg11[%add3A_232, %add3A_449] : memref<160x128xf32, #tpu.memory_space<vmem>>[vector<16xi32>, vector<16xi32>], vector<16xf32>,
          %gather3A_451 = tpu.vector_load_idx %arg12[%add3A_234, %add3A_449] : memref<160x128xf32, #tpu.memory_space<vmem>>[vector<16xi32>, vector<16xi32>], vector<16xf32>,
          %mul3A_452 = arith.mulf %gather3A_450, %gather3A_451 : vector<16xf32>
          %add3A_453 = arith.addf %add3A_394, %mul3A_452 : vector<16xf32>
          %add3A_454 = arith.constant 2 : i32
          %add3A_455 = vector.broadcast %add3A_454 : i32 to vector<16xi32>
          %add3A_456 = arith.addi %scan3A_327, %add3A_455 : vector<16xi32>
          scf.yield %add3A_456, %add3A_404, %add3A_411, %add3A_418, %add3A_425, %add3A_432, %add3A_439, %add3A_446, %add3A_453 : vector<16xi32>, vector<16xf32>, vector<16xf32>, vector<16xf32>, vector<16xf32>, vector<16xf32>, vector<16xf32>, vector<16xf32>, vector<16xf32>
        }
        %scan3A_256 = arith.constant 8 : i32
        %exp3A = math.exp %scan3A_255#1 : vector<16xf32>
        %exp3A_257 = math.exp %scan3A_255#2 : vector<16xf32>
        %exp3A_258 = math.exp %scan3A_255#3 : vector<16xf32>
        %exp3A_259 = math.exp %scan3A_255#4 : vector<16xf32>
        %exp3A_260 = math.exp %scan3A_255#5 : vector<16xf32>
        %exp3A_261 = math.exp %scan3A_255#6 : vector<16xf32>
        %exp3A_262 = math.exp %scan3A_255#7 : vector<16xf32>
        %exp3A_263 = math.exp %scan3A_255#8 : vector<16xf32>
        %add3A_264 = arith.addf %exp3A, %exp3A_257 : vector<16xf32>
        %add3A_265 = arith.addf %exp3A_258, %exp3A_259 : vector<16xf32>
        %add3A_266 = arith.addf %add3A_264, %add3A_265 : vector<16xf32>
        %add3A_267 = arith.addf %exp3A_260, %exp3A_261 : vector<16xf32>
        %add3A_268 = arith.addf %exp3A_262, %exp3A_263 : vector<16xf32>
        %add3A_269 = arith.addf %add3A_267, %add3A_268 : vector<16xf32>
        %add3A_270 = arith.addf %add3A_266, %add3A_269 : vector<16xf32>
        %div3A = arith.constant 1.000000e+00 : f32
        %div3A_271 = vector.broadcast %div3A : f32 to vector<16xf32>
        %div3A_272 = arith.divf %div3A_271, %add3A_270 : vector<16xf32>
        %mul3A_273 = arith.mulf %exp3A, %div3A_272 : vector<16xf32>
        %mul3A_274 = arith.mulf %exp3A_257, %div3A_272 : vector<16xf32>
        %mul3A_275 = arith.mulf %exp3A_258, %div3A_272 : vector<16xf32>
        %mul3A_276 = arith.mulf %exp3A_259, %div3A_272 : vector<16xf32>
        %mul3A_277 = arith.mulf %exp3A_260, %div3A_272 : vector<16xf32>
        %mul3A_278 = arith.mulf %exp3A_261, %div3A_272 : vector<16xf32>
        %mul3A_279 = arith.mulf %exp3A_262, %div3A_272 : vector<16xf32>
        %mul3A_280 = arith.mulf %exp3A_263, %div3A_272 : vector<16xf32>
        %broadcast_in_dim3A_281 = arith.constant 0 : i32
        %broadcast_in_dim3A_282 = vector.broadcast %broadcast_in_dim3A_281 : i32 to vector<16xi32>
        tpu.vector_store_idx %arg14[%add3A_230, %broadcast_in_dim3A_282], %mul3A_273 : memref<80x8xf32, #tpu.memory_space<vmem>>[vector<16xi32>, vector<16xi32>], vector<16xf32>,
        %add3A_283 = arith.constant 1 : i32
        %add3A_284 = vector.broadcast %add3A_283 : i32 to vector<16xi32>
        %add3A_285 = arith.addi %broadcast_in_dim3A_282, %add3A_284 : vector<16xi32>
        tpu.vector_store_idx %arg14[%add3A_230, %add3A_285], %mul3A_274 : memref<80x8xf32, #tpu.memory_space<vmem>>[vector<16xi32>, vector<16xi32>], vector<16xf32>,
        %add3A_286 = arith.constant 1 : i32
        %add3A_287 = vector.broadcast %add3A_286 : i32 to vector<16xi32>
        %add3A_288 = arith.addi %add3A_285, %add3A_287 : vector<16xi32>
        tpu.vector_store_idx %arg14[%add3A_230, %add3A_288], %mul3A_275 : memref<80x8xf32, #tpu.memory_space<vmem>>[vector<16xi32>, vector<16xi32>], vector<16xf32>,
        %add3A_289 = arith.constant 1 : i32
        %add3A_290 = vector.broadcast %add3A_289 : i32 to vector<16xi32>
        %add3A_291 = arith.addi %add3A_288, %add3A_290 : vector<16xi32>
        tpu.vector_store_idx %arg14[%add3A_230, %add3A_291], %mul3A_276 : memref<80x8xf32, #tpu.memory_space<vmem>>[vector<16xi32>, vector<16xi32>], vector<16xf32>,
        %add3A_292 = arith.constant 1 : i32
        %add3A_293 = vector.broadcast %add3A_292 : i32 to vector<16xi32>
        %add3A_294 = arith.addi %add3A_291, %add3A_293 : vector<16xi32>
        tpu.vector_store_idx %arg14[%add3A_230, %add3A_294], %mul3A_277 : memref<80x8xf32, #tpu.memory_space<vmem>>[vector<16xi32>, vector<16xi32>], vector<16xf32>,
        %add3A_295 = arith.constant 1 : i32
        %add3A_296 = vector.broadcast %add3A_295 : i32 to vector<16xi32>
        %add3A_297 = arith.addi %add3A_294, %add3A_296 : vector<16xi32>
        tpu.vector_store_idx %arg14[%add3A_230, %add3A_297], %mul3A_278 : memref<80x8xf32, #tpu.memory_space<vmem>>[vector<16xi32>, vector<16xi32>], vector<16xf32>,
        %add3A_298 = arith.constant 1 : i32
        %add3A_299 = vector.broadcast %add3A_298 : i32 to vector<16xi32>
        %add3A_300 = arith.addi %add3A_297, %add3A_299 : vector<16xi32>
        tpu.vector_store_idx %arg14[%add3A_230, %add3A_300], %mul3A_279 : memref<80x8xf32, #tpu.memory_space<vmem>>[vector<16xi32>, vector<16xi32>], vector<16xf32>,
        %add3A_301 = arith.constant 1 : i32
        %add3A_302 = vector.broadcast %add3A_301 : i32 to vector<16xi32>
        %add3A_303 = arith.addi %add3A_300, %add3A_302 : vector<16xi32>
        tpu.vector_store_idx %arg14[%add3A_230, %add3A_303], %mul3A_280 : memref<80x8xf32, #tpu.memory_space<vmem>>[vector<16xi32>, vector<16xi32>], vector<16xf32>,
        %mul3A_304 = arith.constant 16 : i32
        %mul3A_305 = arith.muli %scan3A_225, %mul3A_304 : i32
        %add3A_306 = arith.addi %mul3A_100, %mul3A_305 : i32
        %get3A = arith.index_cast %add3A_306 : i32 to index
        %get3A_307 = tpu.vector_load %arg15[%get3A] {strides = array<i32>} : memref<240xi32, #tpu.memory_space<vmem>>, vector<16xi32>,
        %gather3A = tpu.vector_load_idx %arg9[%get3A_307] : memref<10016xi32, #tpu.memory_space<vmem>>[vector<16xi32>], vector<16xi32>,
        %ge3A = arith.constant 0 : i32
        %ge3A_308 = vector.broadcast %ge3A : i32 to vector<16xi32>
        %ge3A_309 = arith.cmpi sge, %gather3A, %ge3A_308 : vector<16xi32>
        %convert_element_type3A_310 = arith.extui %ge3A_309 : vector<16xi1> to vector<16xi32>
        %broadcast_in_dim3A_311 = arith.constant true
        %broadcast_in_dim3A_312 = vector.broadcast %broadcast_in_dim3A_311 : i1 to vector<16xi1>
        %masked_cumsum3A = tpu.scan <sum>, %convert_element_type3A_310 masked %broadcast_in_dim3A_312 : vector<16xi32>, vector<16xi1> -> vector<16xi32>
        %add3A_313 = vector.broadcast %scan3A_226 : i32 to vector<16xi32>
        %add3A_314 = arith.addi %add3A_313, %masked_cumsum3A : vector<16xi32>
        %sub3A_315 = arith.subi %add3A_314, %convert_element_type3A_310 : vector<16xi32>
        tpu.vector_store_idx %arg16[%sub3A_315], %add3A_230 masked %ge3A_309 : memref<80xi32, #tpu.memory_space<vmem>>[vector<16xi32>], vector<16xi32>, vector<16xi1>
        %shift_right_arithmetic3A_316 = arith.constant 6 : i32
        %shift_right_arithmetic3A_317 = vector.broadcast %shift_right_arithmetic3A_316 : i32 to vector<16xi32>
        %shift_right_arithmetic3A_318 = arith.shrsi %sub3A_315, %shift_right_arithmetic3A_317 : vector<16xi32>
        %and3A_319 = arith.constant 63 : i32
        %and3A_320 = vector.broadcast %and3A_319 : i32 to vector<16xi32>
        %and3A_321 = arith.andi %sub3A_315, %and3A_320 : vector<16xi32>
        tpu.vector_store_idx %arg17[%shift_right_arithmetic3A_318, %and3A_321], %gather3A masked %ge3A_309 : memref<3x64xi32, #tpu.memory_space<vmem>>[vector<16xi32>, vector<16xi32>], vector<16xi32>, vector<16xi1>
        %reduce_sum3A = arith.constant true
        %reduce_sum3A_322 = vector.broadcast %reduce_sum3A : i1 to vector<16xi1>
        %reduce_sum3A_323 = tpu.scan <sum>, %convert_element_type3A_310 masked %reduce_sum3A_322 : vector<16xi32>, vector<16xi1> -> vector<16xi32>
        %reduce_sum3A_324 = vector.extract %reduce_sum3A_323[15] : i32 from vector<16xi32>
        %add3A_325 = arith.addi %scan3A_226, %reduce_sum3A_324 : i32
        scf.yield %add3A_325 : i32
      }
      %scan3A_151 = arith.constant 5 : i32
      %broadcast_in_dim3A_152 = arith.constant 1024 : i32
      %broadcast_in_dim3A_153 = vector.broadcast %broadcast_in_dim3A_152 : i32 to vector<16xi32>
      %add3A_154 = arith.constant 0 : i32
      %add3A_155 = arith.addi %scan3A_150, %add3A_154 : i32
      %add3A_156 = vector.broadcast %add3A_155 : i32 to vector<16xi32>
      %add3A_157 = arith.addi %add3A_156, %iota3A : vector<16xi32>
      %shift_right_arithmetic3A = arith.constant 6 : i32
      %shift_right_arithmetic3A_158 = vector.broadcast %shift_right_arithmetic3A : i32 to vector<16xi32>
      %shift_right_arithmetic3A_159 = arith.shrsi %add3A_157, %shift_right_arithmetic3A_158 : vector<16xi32>
      %and3A_160 = arith.constant 63 : i32
      %and3A_161 = vector.broadcast %and3A_160 : i32 to vector<16xi32>
      %and3A_162 = arith.andi %add3A_157, %and3A_161 : vector<16xi32>
      tpu.vector_store_idx %arg17[%shift_right_arithmetic3A_159, %and3A_162], %broadcast_in_dim3A_153 : memref<3x64xi32, #tpu.memory_space<vmem>>[vector<16xi32>, vector<16xi32>], vector<16xi32>,
      %add3A_163 = arith.constant 16 : i32
      %add3A_164 = arith.addi %scan3A_150, %add3A_163 : i32
      %add3A_165 = vector.broadcast %add3A_164 : i32 to vector<16xi32>
      %add3A_166 = arith.addi %add3A_165, %iota3A : vector<16xi32>
      %shift_right_arithmetic3A_167 = arith.constant 6 : i32
      %shift_right_arithmetic3A_168 = vector.broadcast %shift_right_arithmetic3A_167 : i32 to vector<16xi32>
      %shift_right_arithmetic3A_169 = arith.shrsi %add3A_166, %shift_right_arithmetic3A_168 : vector<16xi32>
      %and3A_170 = arith.constant 63 : i32
      %and3A_171 = vector.broadcast %and3A_170 : i32 to vector<16xi32>
      %and3A_172 = arith.andi %add3A_166, %and3A_171 : vector<16xi32>
      tpu.vector_store_idx %arg17[%shift_right_arithmetic3A_169, %and3A_172], %broadcast_in_dim3A_153 : memref<3x64xi32, #tpu.memory_space<vmem>>[vector<16xi32>, vector<16xi32>], vector<16xi32>,
      %add3A_173 = arith.constant 32 : i32
      %add3A_174 = arith.addi %scan3A_150, %add3A_173 : i32
      %add3A_175 = vector.broadcast %add3A_174 : i32 to vector<16xi32>
      %add3A_176 = arith.addi %add3A_175, %iota3A : vector<16xi32>
      %shift_right_arithmetic3A_177 = arith.constant 6 : i32
      %shift_right_arithmetic3A_178 = vector.broadcast %shift_right_arithmetic3A_177 : i32 to vector<16xi32>
      %shift_right_arithmetic3A_179 = arith.shrsi %add3A_176, %shift_right_arithmetic3A_178 : vector<16xi32>
      %and3A_180 = arith.constant 63 : i32
      %and3A_181 = vector.broadcast %and3A_180 : i32 to vector<16xi32>
      %and3A_182 = arith.andi %add3A_176, %and3A_181 : vector<16xi32>
      tpu.vector_store_idx %arg17[%shift_right_arithmetic3A_179, %and3A_182], %broadcast_in_dim3A_153 : memref<3x64xi32, #tpu.memory_space<vmem>>[vector<16xi32>, vector<16xi32>], vector<16xi32>,
      %add3A_183 = arith.constant 48 : i32
      %add3A_184 = arith.addi %scan3A_150, %add3A_183 : i32
      %add3A_185 = vector.broadcast %add3A_184 : i32 to vector<16xi32>
      %add3A_186 = arith.addi %add3A_185, %iota3A : vector<16xi32>
      %shift_right_arithmetic3A_187 = arith.constant 6 : i32
      %shift_right_arithmetic3A_188 = vector.broadcast %shift_right_arithmetic3A_187 : i32 to vector<16xi32>
      %shift_right_arithmetic3A_189 = arith.shrsi %add3A_186, %shift_right_arithmetic3A_188 : vector<16xi32>
      %and3A_190 = arith.constant 63 : i32
      %and3A_191 = vector.broadcast %and3A_190 : i32 to vector<16xi32>
      %and3A_192 = arith.andi %add3A_186, %and3A_191 : vector<16xi32>
      tpu.vector_store_idx %arg17[%shift_right_arithmetic3A_189, %and3A_192], %broadcast_in_dim3A_153 : memref<3x64xi32, #tpu.memory_space<vmem>>[vector<16xi32>, vector<16xi32>], vector<16xi32>,
      %add3A_193 = arith.constant 16 : i32
      %add3A_194 = arith.addi %scan3A_150, %add3A_193 : i32
      %sub3A_195 = arith.constant 1 : i32
      %sub3A_196 = arith.subi %add3A_194, %sub3A_195 : i32
      %shift_right_arithmetic3A_197 = arith.constant 4 : i32
      %shift_right_arithmetic3A_198 = arith.shrsi %sub3A_196, %shift_right_arithmetic3A_197 : i32
      %while3A = arith.constant 0 : i32
      %while3A_199 = arith.constant 0 : i32
      %while3A_200 = arith.subi %shift_right_arithmetic3A_198, %while3A_199 : i32
      %while3A_201 = arith.addi %while3A_199, %while3A_200 : i32
      %while3A_202 = arith.constant 1 : i32
      %while3A_203 = arith.divsi %while3A_200, %while3A_202 : i32
      %while3A_204 = arith.muli %while3A_203, %while3A_202 : i32
      %while3A_205 = arith.addi %while3A_199, %while3A_204 : i32
      %while3A_206 = arith.constant 1 : i32
      scf.for %while3A_225 = %while3A_199 to %while3A_205 step %while3A_206  : i32 {
        %mul3A_226 = arith.constant 16 : i32
        %mul3A_227 = arith.muli %while3A_225, %mul3A_226 : i32
        %add3A_228 = vector.broadcast %mul3A_227 : i32 to vector<16xi32>
        %add3A_229 = arith.addi %add3A_228, %iota3A : vector<16xi32>
        %gather3A = tpu.vector_load_idx %arg16[%add3A_229] : memref<80xi32, #tpu.memory_space<vmem>>[vector<16xi32>], vector<16xi32>,
        %add3A_230 = vector.broadcast %mul3A_85 : i32 to vector<16xi32>
        %add3A_231 = arith.addi %gather3A, %add3A_230 : vector<16xi32>
        %broadcast_in_dim3A_232 = arith.constant 0 : i32
        %broadcast_in_dim3A_233 = vector.broadcast %broadcast_in_dim3A_232 : i32 to vector<16xi32>
        %gather3A_234 = tpu.vector_load_idx %arg14[%gather3A, %broadcast_in_dim3A_233] : memref<80x8xf32, #tpu.memory_space<vmem>>[vector<16xi32>, vector<16xi32>], vector<16xf32>,
        %add3A_235 = arith.constant 1 : i32
        %add3A_236 = vector.broadcast %add3A_235 : i32 to vector<16xi32>
        %add3A_237 = arith.addi %broadcast_in_dim3A_233, %add3A_236 : vector<16xi32>
        %gather3A_238 = tpu.vector_load_idx %arg14[%gather3A, %add3A_237] : memref<80x8xf32, #tpu.memory_space<vmem>>[vector<16xi32>, vector<16xi32>], vector<16xf32>,
        %add3A_239 = arith.constant 1 : i32
        %add3A_240 = vector.broadcast %add3A_239 : i32 to vector<16xi32>
        %add3A_241 = arith.addi %add3A_237, %add3A_240 : vector<16xi32>
        %gather3A_242 = tpu.vector_load_idx %arg14[%gather3A, %add3A_241] : memref<80x8xf32, #tpu.memory_space<vmem>>[vector<16xi32>, vector<16xi32>], vector<16xf32>,
        %add3A_243 = arith.constant 1 : i32
        %add3A_244 = vector.broadcast %add3A_243 : i32 to vector<16xi32>
        %add3A_245 = arith.addi %add3A_241, %add3A_244 : vector<16xi32>
        %gather3A_246 = tpu.vector_load_idx %arg14[%gather3A, %add3A_245] : memref<80x8xf32, #tpu.memory_space<vmem>>[vector<16xi32>, vector<16xi32>], vector<16xf32>,
        %add3A_247 = arith.constant 1 : i32
        %add3A_248 = vector.broadcast %add3A_247 : i32 to vector<16xi32>
        %add3A_249 = arith.addi %add3A_245, %add3A_248 : vector<16xi32>
        %gather3A_250 = tpu.vector_load_idx %arg14[%gather3A, %add3A_249] : memref<80x8xf32, #tpu.memory_space<vmem>>[vector<16xi32>, vector<16xi32>], vector<16xf32>,
        %add3A_251 = arith.constant 1 : i32
        %add3A_252 = vector.broadcast %add3A_251 : i32 to vector<16xi32>
        %add3A_253 = arith.addi %add3A_249, %add3A_252 : vector<16xi32>
        %gather3A_254 = tpu.vector_load_idx %arg14[%gather3A, %add3A_253] : memref<80x8xf32, #tpu.memory_space<vmem>>[vector<16xi32>, vector<16xi32>], vector<16xf32>,
        %add3A_255 = arith.constant 1 : i32
        %add3A_256 = vector.broadcast %add3A_255 : i32 to vector<16xi32>
        %add3A_257 = arith.addi %add3A_253, %add3A_256 : vector<16xi32>
        %gather3A_258 = tpu.vector_load_idx %arg14[%gather3A, %add3A_257] : memref<80x8xf32, #tpu.memory_space<vmem>>[vector<16xi32>, vector<16xi32>], vector<16xf32>,
        %add3A_259 = arith.constant 1 : i32
        %add3A_260 = vector.broadcast %add3A_259 : i32 to vector<16xi32>
        %add3A_261 = arith.addi %add3A_257, %add3A_260 : vector<16xi32>
        %gather3A_262 = tpu.vector_load_idx %arg14[%gather3A, %add3A_261] : memref<80x8xf32, #tpu.memory_space<vmem>>[vector<16xi32>, vector<16xi32>], vector<16xf32>,
        %scan3A_263 = arith.constant 0 : i32
        %scan3A_264 = arith.constant 16 : i32
        %scan3A_265 = arith.addi %scan3A_263, %scan3A_264 : i32
        %scan3A_266 = arith.constant 1 : i32
        %scan3A_267 = scf.for %scan3A_269 = %scan3A_263 to %scan3A_265 step %scan3A_266 iter_args(%scan3A_270 = %iota3A) -> (vector<16xi32>)  : i32 {
          %and3A_271 = arith.constant 15 : i32
          %and3A_272 = vector.broadcast %and3A_271 : i32 to vector<16xi32>
          %and3A_273 = arith.andi %scan3A_270, %and3A_272 : vector<16xi32>
          %gather3A_274 = tpu.vector_load_idx %arg11[%add3A_231, %and3A_273] : memref<160x128xf32, #tpu.memory_space<vmem>>[vector<16xi32>, vector<16xi32>], vector<16xf32>,
          %mul3A_275 = arith.mulf %gather3A_274, %gather3A_234 : vector<16xf32>
          tpu.vector_store_idx %arg13[%add3A_229, %and3A_273], %mul3A_275 : memref<144x128xf32, #tpu.memory_space<vmem>>[vector<16xi32>, vector<16xi32>], vector<16xf32>,
          %add3A_276 = arith.constant 16 : i32
          %add3A_277 = vector.broadcast %add3A_276 : i32 to vector<16xi32>
          %add3A_278 = arith.addi %and3A_273, %add3A_277 : vector<16xi32>
          %gather3A_279 = tpu.vector_load_idx %arg11[%add3A_231, %add3A_278] : memref<160x128xf32, #tpu.memory_space<vmem>>[vector<16xi32>, vector<16xi32>], vector<16xf32>,
          %mul3A_280 = arith.mulf %gather3A_279, %gather3A_238 : vector<16xf32>
          tpu.vector_store_idx %arg13[%add3A_229, %add3A_278], %mul3A_280 : memref<144x128xf32, #tpu.memory_space<vmem>>[vector<16xi32>, vector<16xi32>], vector<16xf32>,
          %add3A_281 = arith.constant 16 : i32
          %add3A_282 = vector.broadcast %add3A_281 : i32 to vector<16xi32>
          %add3A_283 = arith.addi %add3A_278, %add3A_282 : vector<16xi32>
          %gather3A_284 = tpu.vector_load_idx %arg11[%add3A_231, %add3A_283] : memref<160x128xf32, #tpu.memory_space<vmem>>[vector<16xi32>, vector<16xi32>], vector<16xf32>,
          %mul3A_285 = arith.mulf %gather3A_284, %gather3A_242 : vector<16xf32>
          tpu.vector_store_idx %arg13[%add3A_229, %add3A_283], %mul3A_285 : memref<144x128xf32, #tpu.memory_space<vmem>>[vector<16xi32>, vector<16xi32>], vector<16xf32>,
          %add3A_286 = arith.constant 16 : i32
          %add3A_287 = vector.broadcast %add3A_286 : i32 to vector<16xi32>
          %add3A_288 = arith.addi %add3A_283, %add3A_287 : vector<16xi32>
          %gather3A_289 = tpu.vector_load_idx %arg11[%add3A_231, %add3A_288] : memref<160x128xf32, #tpu.memory_space<vmem>>[vector<16xi32>, vector<16xi32>], vector<16xf32>,
          %mul3A_290 = arith.mulf %gather3A_289, %gather3A_246 : vector<16xf32>
          tpu.vector_store_idx %arg13[%add3A_229, %add3A_288], %mul3A_290 : memref<144x128xf32, #tpu.memory_space<vmem>>[vector<16xi32>, vector<16xi32>], vector<16xf32>,
          %add3A_291 = arith.constant 16 : i32
          %add3A_292 = vector.broadcast %add3A_291 : i32 to vector<16xi32>
          %add3A_293 = arith.addi %add3A_288, %add3A_292 : vector<16xi32>
          %gather3A_294 = tpu.vector_load_idx %arg11[%add3A_231, %add3A_293] : memref<160x128xf32, #tpu.memory_space<vmem>>[vector<16xi32>, vector<16xi32>], vector<16xf32>,
          %mul3A_295 = arith.mulf %gather3A_294, %gather3A_250 : vector<16xf32>
          tpu.vector_store_idx %arg13[%add3A_229, %add3A_293], %mul3A_295 : memref<144x128xf32, #tpu.memory_space<vmem>>[vector<16xi32>, vector<16xi32>], vector<16xf32>,
          %add3A_296 = arith.constant 16 : i32
          %add3A_297 = vector.broadcast %add3A_296 : i32 to vector<16xi32>
          %add3A_298 = arith.addi %add3A_293, %add3A_297 : vector<16xi32>
          %gather3A_299 = tpu.vector_load_idx %arg11[%add3A_231, %add3A_298] : memref<160x128xf32, #tpu.memory_space<vmem>>[vector<16xi32>, vector<16xi32>], vector<16xf32>,
          %mul3A_300 = arith.mulf %gather3A_299, %gather3A_254 : vector<16xf32>
          tpu.vector_store_idx %arg13[%add3A_229, %add3A_298], %mul3A_300 : memref<144x128xf32, #tpu.memory_space<vmem>>[vector<16xi32>, vector<16xi32>], vector<16xf32>,
          %add3A_301 = arith.constant 16 : i32
          %add3A_302 = vector.broadcast %add3A_301 : i32 to vector<16xi32>
          %add3A_303 = arith.addi %add3A_298, %add3A_302 : vector<16xi32>
          %gather3A_304 = tpu.vector_load_idx %arg11[%add3A_231, %add3A_303] : memref<160x128xf32, #tpu.memory_space<vmem>>[vector<16xi32>, vector<16xi32>], vector<16xf32>,
          %mul3A_305 = arith.mulf %gather3A_304, %gather3A_258 : vector<16xf32>
          tpu.vector_store_idx %arg13[%add3A_229, %add3A_303], %mul3A_305 : memref<144x128xf32, #tpu.memory_space<vmem>>[vector<16xi32>, vector<16xi32>], vector<16xf32>,
          %add3A_306 = arith.constant 16 : i32
          %add3A_307 = vector.broadcast %add3A_306 : i32 to vector<16xi32>
          %add3A_308 = arith.addi %add3A_303, %add3A_307 : vector<16xi32>
          %gather3A_309 = tpu.vector_load_idx %arg11[%add3A_231, %add3A_308] : memref<160x128xf32, #tpu.memory_space<vmem>>[vector<16xi32>, vector<16xi32>], vector<16xf32>,
          %mul3A_310 = arith.mulf %gather3A_309, %gather3A_262 : vector<16xf32>
          tpu.vector_store_idx %arg13[%add3A_229, %add3A_308], %mul3A_310 : memref<144x128xf32, #tpu.memory_space<vmem>>[vector<16xi32>, vector<16xi32>], vector<16xf32>,
          %add3A_311 = arith.constant 1 : i32
          %add3A_312 = vector.broadcast %add3A_311 : i32 to vector<16xi32>
          %add3A_313 = arith.addi %scan3A_270, %add3A_312 : vector<16xi32>
          scf.yield %add3A_313 : vector<16xi32>
        }
        %scan3A_268 = arith.constant 16 : i32
      }
      %while3A_207 = arith.constant 1 : i32
      scf.for %while3A_225 = %while3A_205 to %while3A_201 step %while3A_207  : i32 {
        %mul3A_226 = arith.constant 16 : i32
        %mul3A_227 = arith.muli %while3A_225, %mul3A_226 : i32
        %add3A_228 = vector.broadcast %mul3A_227 : i32 to vector<16xi32>
        %add3A_229 = arith.addi %add3A_228, %iota3A : vector<16xi32>
        %gather3A = tpu.vector_load_idx %arg16[%add3A_229] : memref<80xi32, #tpu.memory_space<vmem>>[vector<16xi32>], vector<16xi32>,
        %add3A_230 = vector.broadcast %mul3A_85 : i32 to vector<16xi32>
        %add3A_231 = arith.addi %gather3A, %add3A_230 : vector<16xi32>
        %broadcast_in_dim3A_232 = arith.constant 0 : i32
        %broadcast_in_dim3A_233 = vector.broadcast %broadcast_in_dim3A_232 : i32 to vector<16xi32>
        %gather3A_234 = tpu.vector_load_idx %arg14[%gather3A, %broadcast_in_dim3A_233] : memref<80x8xf32, #tpu.memory_space<vmem>>[vector<16xi32>, vector<16xi32>], vector<16xf32>,
        %add3A_235 = arith.constant 1 : i32
        %add3A_236 = vector.broadcast %add3A_235 : i32 to vector<16xi32>
        %add3A_237 = arith.addi %broadcast_in_dim3A_233, %add3A_236 : vector<16xi32>
        %gather3A_238 = tpu.vector_load_idx %arg14[%gather3A, %add3A_237] : memref<80x8xf32, #tpu.memory_space<vmem>>[vector<16xi32>, vector<16xi32>], vector<16xf32>,
        %add3A_239 = arith.constant 1 : i32
        %add3A_240 = vector.broadcast %add3A_239 : i32 to vector<16xi32>
        %add3A_241 = arith.addi %add3A_237, %add3A_240 : vector<16xi32>
        %gather3A_242 = tpu.vector_load_idx %arg14[%gather3A, %add3A_241] : memref<80x8xf32, #tpu.memory_space<vmem>>[vector<16xi32>, vector<16xi32>], vector<16xf32>,
        %add3A_243 = arith.constant 1 : i32
        %add3A_244 = vector.broadcast %add3A_243 : i32 to vector<16xi32>
        %add3A_245 = arith.addi %add3A_241, %add3A_244 : vector<16xi32>
        %gather3A_246 = tpu.vector_load_idx %arg14[%gather3A, %add3A_245] : memref<80x8xf32, #tpu.memory_space<vmem>>[vector<16xi32>, vector<16xi32>], vector<16xf32>,
        %add3A_247 = arith.constant 1 : i32
        %add3A_248 = vector.broadcast %add3A_247 : i32 to vector<16xi32>
        %add3A_249 = arith.addi %add3A_245, %add3A_248 : vector<16xi32>
        %gather3A_250 = tpu.vector_load_idx %arg14[%gather3A, %add3A_249] : memref<80x8xf32, #tpu.memory_space<vmem>>[vector<16xi32>, vector<16xi32>], vector<16xf32>,
        %add3A_251 = arith.constant 1 : i32
        %add3A_252 = vector.broadcast %add3A_251 : i32 to vector<16xi32>
        %add3A_253 = arith.addi %add3A_249, %add3A_252 : vector<16xi32>
        %gather3A_254 = tpu.vector_load_idx %arg14[%gather3A, %add3A_253] : memref<80x8xf32, #tpu.memory_space<vmem>>[vector<16xi32>, vector<16xi32>], vector<16xf32>,
        %add3A_255 = arith.constant 1 : i32
        %add3A_256 = vector.broadcast %add3A_255 : i32 to vector<16xi32>
        %add3A_257 = arith.addi %add3A_253, %add3A_256 : vector<16xi32>
        %gather3A_258 = tpu.vector_load_idx %arg14[%gather3A, %add3A_257] : memref<80x8xf32, #tpu.memory_space<vmem>>[vector<16xi32>, vector<16xi32>], vector<16xf32>,
        %add3A_259 = arith.constant 1 : i32
        %add3A_260 = vector.broadcast %add3A_259 : i32 to vector<16xi32>
        %add3A_261 = arith.addi %add3A_257, %add3A_260 : vector<16xi32>
        %gather3A_262 = tpu.vector_load_idx %arg14[%gather3A, %add3A_261] : memref<80x8xf32, #tpu.memory_space<vmem>>[vector<16xi32>, vector<16xi32>], vector<16xf32>,
        %scan3A_263 = arith.constant 0 : i32
        %scan3A_264 = arith.constant 16 : i32
        %scan3A_265 = arith.addi %scan3A_263, %scan3A_264 : i32
        %scan3A_266 = arith.constant 1 : i32
        %scan3A_267 = scf.for %scan3A_269 = %scan3A_263 to %scan3A_265 step %scan3A_266 iter_args(%scan3A_270 = %iota3A) -> (vector<16xi32>)  : i32 {
          %and3A_271 = arith.constant 15 : i32
          %and3A_272 = vector.broadcast %and3A_271 : i32 to vector<16xi32>
          %and3A_273 = arith.andi %scan3A_270, %and3A_272 : vector<16xi32>
          %gather3A_274 = tpu.vector_load_idx %arg11[%add3A_231, %and3A_273] : memref<160x128xf32, #tpu.memory_space<vmem>>[vector<16xi32>, vector<16xi32>], vector<16xf32>,
          %mul3A_275 = arith.mulf %gather3A_274, %gather3A_234 : vector<16xf32>
          tpu.vector_store_idx %arg13[%add3A_229, %and3A_273], %mul3A_275 : memref<144x128xf32, #tpu.memory_space<vmem>>[vector<16xi32>, vector<16xi32>], vector<16xf32>,
          %add3A_276 = arith.constant 16 : i32
          %add3A_277 = vector.broadcast %add3A_276 : i32 to vector<16xi32>
          %add3A_278 = arith.addi %and3A_273, %add3A_277 : vector<16xi32>
          %gather3A_279 = tpu.vector_load_idx %arg11[%add3A_231, %add3A_278] : memref<160x128xf32, #tpu.memory_space<vmem>>[vector<16xi32>, vector<16xi32>], vector<16xf32>,
          %mul3A_280 = arith.mulf %gather3A_279, %gather3A_238 : vector<16xf32>
          tpu.vector_store_idx %arg13[%add3A_229, %add3A_278], %mul3A_280 : memref<144x128xf32, #tpu.memory_space<vmem>>[vector<16xi32>, vector<16xi32>], vector<16xf32>,
          %add3A_281 = arith.constant 16 : i32
          %add3A_282 = vector.broadcast %add3A_281 : i32 to vector<16xi32>
          %add3A_283 = arith.addi %add3A_278, %add3A_282 : vector<16xi32>
          %gather3A_284 = tpu.vector_load_idx %arg11[%add3A_231, %add3A_283] : memref<160x128xf32, #tpu.memory_space<vmem>>[vector<16xi32>, vector<16xi32>], vector<16xf32>,
          %mul3A_285 = arith.mulf %gather3A_284, %gather3A_242 : vector<16xf32>
          tpu.vector_store_idx %arg13[%add3A_229, %add3A_283], %mul3A_285 : memref<144x128xf32, #tpu.memory_space<vmem>>[vector<16xi32>, vector<16xi32>], vector<16xf32>,
          %add3A_286 = arith.constant 16 : i32
          %add3A_287 = vector.broadcast %add3A_286 : i32 to vector<16xi32>
          %add3A_288 = arith.addi %add3A_283, %add3A_287 : vector<16xi32>
          %gather3A_289 = tpu.vector_load_idx %arg11[%add3A_231, %add3A_288] : memref<160x128xf32, #tpu.memory_space<vmem>>[vector<16xi32>, vector<16xi32>], vector<16xf32>,
          %mul3A_290 = arith.mulf %gather3A_289, %gather3A_246 : vector<16xf32>
          tpu.vector_store_idx %arg13[%add3A_229, %add3A_288], %mul3A_290 : memref<144x128xf32, #tpu.memory_space<vmem>>[vector<16xi32>, vector<16xi32>], vector<16xf32>,
          %add3A_291 = arith.constant 16 : i32
          %add3A_292 = vector.broadcast %add3A_291 : i32 to vector<16xi32>
          %add3A_293 = arith.addi %add3A_288, %add3A_292 : vector<16xi32>
          %gather3A_294 = tpu.vector_load_idx %arg11[%add3A_231, %add3A_293] : memref<160x128xf32, #tpu.memory_space<vmem>>[vector<16xi32>, vector<16xi32>], vector<16xf32>,
          %mul3A_295 = arith.mulf %gather3A_294, %gather3A_250 : vector<16xf32>
          tpu.vector_store_idx %arg13[%add3A_229, %add3A_293], %mul3A_295 : memref<144x128xf32, #tpu.memory_space<vmem>>[vector<16xi32>, vector<16xi32>], vector<16xf32>,
          %add3A_296 = arith.constant 16 : i32
          %add3A_297 = vector.broadcast %add3A_296 : i32 to vector<16xi32>
          %add3A_298 = arith.addi %add3A_293, %add3A_297 : vector<16xi32>
          %gather3A_299 = tpu.vector_load_idx %arg11[%add3A_231, %add3A_298] : memref<160x128xf32, #tpu.memory_space<vmem>>[vector<16xi32>, vector<16xi32>], vector<16xf32>,
          %mul3A_300 = arith.mulf %gather3A_299, %gather3A_254 : vector<16xf32>
          tpu.vector_store_idx %arg13[%add3A_229, %add3A_298], %mul3A_300 : memref<144x128xf32, #tpu.memory_space<vmem>>[vector<16xi32>, vector<16xi32>], vector<16xf32>,
          %add3A_301 = arith.constant 16 : i32
          %add3A_302 = vector.broadcast %add3A_301 : i32 to vector<16xi32>
          %add3A_303 = arith.addi %add3A_298, %add3A_302 : vector<16xi32>
          %gather3A_304 = tpu.vector_load_idx %arg11[%add3A_231, %add3A_303] : memref<160x128xf32, #tpu.memory_space<vmem>>[vector<16xi32>, vector<16xi32>], vector<16xf32>,
          %mul3A_305 = arith.mulf %gather3A_304, %gather3A_258 : vector<16xf32>
          tpu.vector_store_idx %arg13[%add3A_229, %add3A_303], %mul3A_305 : memref<144x128xf32, #tpu.memory_space<vmem>>[vector<16xi32>, vector<16xi32>], vector<16xf32>,
          %add3A_306 = arith.constant 16 : i32
          %add3A_307 = vector.broadcast %add3A_306 : i32 to vector<16xi32>
          %add3A_308 = arith.addi %add3A_303, %add3A_307 : vector<16xi32>
          %gather3A_309 = tpu.vector_load_idx %arg11[%add3A_231, %add3A_308] : memref<160x128xf32, #tpu.memory_space<vmem>>[vector<16xi32>, vector<16xi32>], vector<16xf32>,
          %mul3A_310 = arith.mulf %gather3A_309, %gather3A_262 : vector<16xf32>
          tpu.vector_store_idx %arg13[%add3A_229, %add3A_308], %mul3A_310 : memref<144x128xf32, #tpu.memory_space<vmem>>[vector<16xi32>, vector<16xi32>], vector<16xf32>,
          %add3A_311 = arith.constant 1 : i32
          %add3A_312 = vector.broadcast %add3A_311 : i32 to vector<16xi32>
          %add3A_313 = arith.addi %scan3A_270, %add3A_312 : vector<16xi32>
          scf.yield %add3A_313 : vector<16xi32>
        }
        %scan3A_268 = arith.constant 16 : i32
      }
      "tpu.region"() ({
        %run_scoped3A = tpu.sem_alloc : memref<!tpu.dma_semaphore, #tpu.memory_space<semaphore_mem>>
        %dma_start3A_225 = arith.constant 0 : i32
        %dma_start3A_226 = tpu.memref_slice %arg6[%add3A_81, %dma_start3A_225] : memref<320000x8xf32, #tpu.memory_space<hbm>> -> memref<80x8xf32, #tpu.memory_space<hbm>>
        %dma_start3A_227 = arith.constant 0 : i32
        %dma_start3A_228 = tpu.memref_slice %arg6[%add3A_81, %dma_start3A_227] : memref<320000x8xf32, #tpu.memory_space<hbm>> -> memref<80x8xf32, #tpu.memory_space<hbm>>
        tpu.enqueue_dma source(%arg14 : memref<80x8xf32, #tpu.memory_space<vmem>>) target(%dma_start3A_228 : memref<80x8xf32, #tpu.memory_space<hbm>>) target_semaphore(%run_scoped3A : memref<!tpu.dma_semaphore, #tpu.memory_space<semaphore_mem>>)
        %dma_wait3A_229 = arith.constant 0 : i32
        %dma_wait3A_230 = tpu.memref_slice %arg6[%add3A_81, %dma_wait3A_229] : memref<320000x8xf32, #tpu.memory_space<hbm>> -> memref<80x8xf32, #tpu.memory_space<hbm>>
        %dma_wait3A_231 = arith.constant 0 : i32
        %dma_wait3A_232 = tpu.memref_slice %arg6[%add3A_81, %dma_wait3A_231] : memref<320000x8xf32, #tpu.memory_space<hbm>> -> memref<80x8xf32, #tpu.memory_space<hbm>>
        tpu.wait_dma2 semaphore(%run_scoped3A : memref<!tpu.dma_semaphore, #tpu.memory_space<semaphore_mem>>) src(%arg14 : memref<80x8xf32, #tpu.memory_space<vmem>>) dst(%dma_wait3A_232 : memref<80x8xf32, #tpu.memory_space<hbm>>)
        tpu.yield
      }) : () -> ()
      %add3A_208 = arith.constant 64 : i32
      %add3A_209 = arith.addi %scan3A_150, %add3A_208 : i32
      %sub3A_210 = arith.constant 1 : i32
      %sub3A_211 = arith.subi %add3A_209, %sub3A_210 : i32
      %shift_right_arithmetic3A_212 = arith.constant 6 : i32
      %shift_right_arithmetic3A_213 = arith.shrsi %sub3A_211, %shift_right_arithmetic3A_212 : i32
      %while3A_214 = arith.constant 0 : i32
      %while3A_215 = arith.constant 0 : i32
      %while3A_216 = arith.subi %shift_right_arithmetic3A_213, %while3A_215 : i32
      %while3A_217 = arith.addi %while3A_215, %while3A_216 : i32
      %while3A_218 = arith.constant 1 : i32
      %while3A_219 = arith.divsi %while3A_216, %while3A_218 : i32
      %while3A_220 = arith.muli %while3A_219, %while3A_218 : i32
      %while3A_221 = arith.addi %while3A_215, %while3A_220 : i32
      %while3A_222 = arith.constant 1 : i32
      scf.for %while3A_225 = %while3A_215 to %while3A_221 step %while3A_222  : i32 {
        %mul3A_226 = arith.constant 64 : i32
        %mul3A_227 = arith.muli %while3A_225, %mul3A_226 : i32
        "tpu.region"() ({
          %run_scoped3A = tpu.sem_alloc : memref<!tpu.dma_semaphore, #tpu.memory_space<semaphore_mem>>
          %dma_start3A_228 = arith.constant 0 : i32
          %dma_start3A_229 = tpu.memref_slice %arg13[%mul3A_227, %dma_start3A_228] : memref<144x128xf32, #tpu.memory_space<vmem>> -> memref<64x128xf32, #tpu.memory_space<vmem>>
          %dma_start3A_230 = arith.constant 0 : i32
          %dma_start3A_231 = tpu.memref_slice %arg17[%while3A_225, %dma_start3A_230] : memref<3x64xi32, #tpu.memory_space<vmem>> -> memref<1x64xi32, #tpu.memory_space<vmem>>
          %dma_start3A_232 = tpu.memref_squeeze %dma_start3A_231 : memref<1x64xi32, #tpu.memory_space<vmem>> -> memref<64xi32, #tpu.memory_space<vmem>>
          %dma_start3A_233 = arith.constant 0 : i32
          %dma_start3A_234 = arith.constant 0 : i32
          %dma_start3A_235 = tpu.memref_slice %arg8[%dma_start3A_233, %dma_start3A_234] : memref<1152x128xf32, #tpu.memory_space<vmem_shared>> -> memref<1152x128xf32, #tpu.memory_space<vmem_shared>>
          tpu.enqueue_indirect_dma source(%dma_start3A_229 : memref<64x128xf32, #tpu.memory_space<vmem>>) target(%dma_start3A_235 : memref<1152x128xf32, #tpu.memory_space<vmem_shared>>) offsets(%dma_start3A_232 : memref<64xi32, #tpu.memory_space<vmem>>) semaphore(%run_scoped3A : memref<!tpu.dma_semaphore, #tpu.memory_space<semaphore_mem>>) {add = true}
          %dma_wait3A_236 = arith.constant 0 : i32
          %dma_wait3A_237 = tpu.memref_slice %arg13[%mul3A_227, %dma_wait3A_236] : memref<144x128xf32, #tpu.memory_space<vmem>> -> memref<64x128xf32, #tpu.memory_space<vmem>>
          %dma_wait3A_238 = arith.constant 0 : i32
          %dma_wait3A_239 = tpu.memref_slice %arg17[%while3A_225, %dma_wait3A_238] : memref<3x64xi32, #tpu.memory_space<vmem>> -> memref<1x64xi32, #tpu.memory_space<vmem>>
          %dma_wait3A_240 = tpu.memref_squeeze %dma_wait3A_239 : memref<1x64xi32, #tpu.memory_space<vmem>> -> memref<64xi32, #tpu.memory_space<vmem>>
          %dma_wait3A_241 = arith.constant 0 : i32
          %dma_wait3A_242 = arith.constant 0 : i32
          %dma_wait3A_243 = tpu.memref_slice %arg8[%dma_wait3A_241, %dma_wait3A_242] : memref<1152x128xf32, #tpu.memory_space<vmem_shared>> -> memref<1152x128xf32, #tpu.memory_space<vmem_shared>>
          tpu.wait_indirect_dma semaphore(%run_scoped3A : memref<!tpu.dma_semaphore, #tpu.memory_space<semaphore_mem>>) src(%dma_wait3A_237 : memref<64x128xf32, #tpu.memory_space<vmem>>) dst(%dma_wait3A_243 : memref<1152x128xf32, #tpu.memory_space<vmem_shared>>)
          tpu.yield
        }) : () -> ()
      }
      %while3A_223 = arith.constant 1 : i32
      scf.for %while3A_225 = %while3A_221 to %while3A_217 step %while3A_223  : i32 {
        %mul3A_226 = arith.constant 64 : i32
        %mul3A_227 = arith.muli %while3A_225, %mul3A_226 : i32
        "tpu.region"() ({
          %run_scoped3A = tpu.sem_alloc : memref<!tpu.dma_semaphore, #tpu.memory_space<semaphore_mem>>
          %dma_start3A_228 = arith.constant 0 : i32
          %dma_start3A_229 = tpu.memref_slice %arg13[%mul3A_227, %dma_start3A_228] : memref<144x128xf32, #tpu.memory_space<vmem>> -> memref<64x128xf32, #tpu.memory_space<vmem>>
          %dma_start3A_230 = arith.constant 0 : i32
          %dma_start3A_231 = tpu.memref_slice %arg17[%while3A_225, %dma_start3A_230] : memref<3x64xi32, #tpu.memory_space<vmem>> -> memref<1x64xi32, #tpu.memory_space<vmem>>
          %dma_start3A_232 = tpu.memref_squeeze %dma_start3A_231 : memref<1x64xi32, #tpu.memory_space<vmem>> -> memref<64xi32, #tpu.memory_space<vmem>>
          %dma_start3A_233 = arith.constant 0 : i32
          %dma_start3A_234 = arith.constant 0 : i32
          %dma_start3A_235 = tpu.memref_slice %arg8[%dma_start3A_233, %dma_start3A_234] : memref<1152x128xf32, #tpu.memory_space<vmem_shared>> -> memref<1152x128xf32, #tpu.memory_space<vmem_shared>>
          tpu.enqueue_indirect_dma source(%dma_start3A_229 : memref<64x128xf32, #tpu.memory_space<vmem>>) target(%dma_start3A_235 : memref<1152x128xf32, #tpu.memory_space<vmem_shared>>) offsets(%dma_start3A_232 : memref<64xi32, #tpu.memory_space<vmem>>) semaphore(%run_scoped3A : memref<!tpu.dma_semaphore, #tpu.memory_space<semaphore_mem>>) {add = true}
          %dma_wait3A_236 = arith.constant 0 : i32
          %dma_wait3A_237 = tpu.memref_slice %arg13[%mul3A_227, %dma_wait3A_236] : memref<144x128xf32, #tpu.memory_space<vmem>> -> memref<64x128xf32, #tpu.memory_space<vmem>>
          %dma_wait3A_238 = arith.constant 0 : i32
          %dma_wait3A_239 = tpu.memref_slice %arg17[%while3A_225, %dma_wait3A_238] : memref<3x64xi32, #tpu.memory_space<vmem>> -> memref<1x64xi32, #tpu.memory_space<vmem>>
          %dma_wait3A_240 = tpu.memref_squeeze %dma_wait3A_239 : memref<1x64xi32, #tpu.memory_space<vmem>> -> memref<64xi32, #tpu.memory_space<vmem>>
          %dma_wait3A_241 = arith.constant 0 : i32
          %dma_wait3A_242 = arith.constant 0 : i32
          %dma_wait3A_243 = tpu.memref_slice %arg8[%dma_wait3A_241, %dma_wait3A_242] : memref<1152x128xf32, #tpu.memory_space<vmem_shared>> -> memref<1152x128xf32, #tpu.memory_space<vmem_shared>>
          tpu.wait_indirect_dma semaphore(%run_scoped3A : memref<!tpu.dma_semaphore, #tpu.memory_space<semaphore_mem>>) src(%dma_wait3A_237 : memref<64x128xf32, #tpu.memory_space<vmem>>) dst(%dma_wait3A_243 : memref<1152x128xf32, #tpu.memory_space<vmem_shared>>)
          tpu.yield
        }) : () -> ()
      }
      %scan3A_224 = arith.constant 0 : i32
      scf.yield %scan3A_224 : i32
    }
    %scan3A_71 = arith.constant 125 : i32
    %barrier3A_72 = arith.constant 0 : index
    tpu.barrier barrier_id(%barrier3A_72)
    %mul3A_73 = arith.constant 64 : i32
    %mul3A_74 = arith.muli %arg1, %mul3A_73 : i32
    "tpu.region"() ({
      %run_scoped3A = tpu.sem_alloc : memref<!tpu.dma_semaphore, #tpu.memory_space<semaphore_mem>>
      %dma_start3A_75 = arith.constant 0 : i32
      %dma_start3A_76 = arith.constant 0 : i32
      %dma_start3A_77 = tpu.memref_slice %arg13[%dma_start3A_75, %dma_start3A_76] : memref<144x128xf32, #tpu.memory_space<vmem>> -> memref<64x128xf32, #tpu.memory_space<vmem>>
      %dma_start3A_78 = arith.constant 0 : i32
      %dma_start3A_79 = tpu.memref_slice %arg8[%mul3A_74, %dma_start3A_78] : memref<1152x128xf32, #tpu.memory_space<vmem_shared>> -> memref<64x128xf32, #tpu.memory_space<vmem_shared>>
      %dma_start3A_80 = arith.constant 0 : i32
      %dma_start3A_81 = arith.constant 0 : i32
      %dma_start3A_82 = tpu.memref_slice %arg13[%dma_start3A_80, %dma_start3A_81] : memref<144x128xf32, #tpu.memory_space<vmem>> -> memref<64x128xf32, #tpu.memory_space<vmem>>
      %dma_start3A_83 = arith.constant 0 : i32
      %dma_start3A_84 = tpu.memref_slice %arg8[%mul3A_74, %dma_start3A_83] : memref<1152x128xf32, #tpu.memory_space<vmem_shared>> -> memref<64x128xf32, #tpu.memory_space<vmem_shared>>
      tpu.enqueue_dma source(%dma_start3A_84 : memref<64x128xf32, #tpu.memory_space<vmem_shared>>) target(%dma_start3A_82 : memref<64x128xf32, #tpu.memory_space<vmem>>) target_semaphore(%run_scoped3A : memref<!tpu.dma_semaphore, #tpu.memory_space<semaphore_mem>>)
      %dma_wait3A = arith.constant 0 : i32
      %dma_wait3A_85 = arith.constant 0 : i32
      %dma_wait3A_86 = tpu.memref_slice %arg13[%dma_wait3A, %dma_wait3A_85] : memref<144x128xf32, #tpu.memory_space<vmem>> -> memref<64x128xf32, #tpu.memory_space<vmem>>
      %dma_wait3A_87 = arith.constant 0 : i32
      %dma_wait3A_88 = tpu.memref_slice %arg8[%mul3A_74, %dma_wait3A_87] : memref<1152x128xf32, #tpu.memory_space<vmem_shared>> -> memref<64x128xf32, #tpu.memory_space<vmem_shared>>
      %dma_wait3A_89 = arith.constant 0 : i32
      %dma_wait3A_90 = arith.constant 0 : i32
      %dma_wait3A_91 = tpu.memref_slice %arg13[%dma_wait3A_89, %dma_wait3A_90] : memref<144x128xf32, #tpu.memory_space<vmem>> -> memref<64x128xf32, #tpu.memory_space<vmem>>
      %dma_wait3A_92 = arith.constant 0 : i32
      %dma_wait3A_93 = tpu.memref_slice %arg8[%mul3A_74, %dma_wait3A_92] : memref<1152x128xf32, #tpu.memory_space<vmem_shared>> -> memref<64x128xf32, #tpu.memory_space<vmem_shared>>
      tpu.wait_dma2 semaphore(%run_scoped3A : memref<!tpu.dma_semaphore, #tpu.memory_space<semaphore_mem>>) src(%dma_wait3A_93 : memref<64x128xf32, #tpu.memory_space<vmem_shared>>) dst(%dma_wait3A_91 : memref<64x128xf32, #tpu.memory_space<vmem>>)
      tpu.yield
    }) : () -> ()
    "tpu.region"() ({
      %run_scoped3A = tpu.sem_alloc : memref<!tpu.dma_semaphore, #tpu.memory_space<semaphore_mem>>
      %dma_start3A_75 = arith.constant 0 : i32
      %dma_start3A_76 = arith.constant 0 : i32
      %dma_start3A_77 = tpu.memref_slice %arg13[%dma_start3A_75, %dma_start3A_76] : memref<144x128xf32, #tpu.memory_space<vmem>> -> memref<64x128xf32, #tpu.memory_space<vmem>>
      %dma_start3A_78 = arith.constant 0 : i32
      %dma_start3A_79 = arith.constant 0 : i32
      %dma_start3A_80 = tpu.memref_slice %arg7[%arg0, %dma_start3A_78, %dma_start3A_79] : memref<2x1024x128xf32, #tpu.memory_space<hbm>> -> memref<1x1024x128xf32, #tpu.memory_space<hbm>>
      %dma_start3A_81 = tpu.memref_squeeze %dma_start3A_80 : memref<1x1024x128xf32, #tpu.memory_space<hbm>> -> memref<1024x128xf32, #tpu.memory_space<hbm>>
      %dma_start3A_82 = arith.constant 0 : i32
      %dma_start3A_83 = tpu.memref_slice %dma_start3A_81[%mul3A_74, %dma_start3A_82] : memref<1024x128xf32, #tpu.memory_space<hbm>> -> memref<64x128xf32, #tpu.memory_space<hbm>>
      %dma_start3A_84 = arith.constant 0 : i32
      %dma_start3A_85 = arith.constant 0 : i32
      %dma_start3A_86 = tpu.memref_slice %arg7[%arg0, %dma_start3A_84, %dma_start3A_85] : memref<2x1024x128xf32, #tpu.memory_space<hbm>> -> memref<1x1024x128xf32, #tpu.memory_space<hbm>>
      %dma_start3A_87 = tpu.memref_squeeze %dma_start3A_86 : memref<1x1024x128xf32, #tpu.memory_space<hbm>> -> memref<1024x128xf32, #tpu.memory_space<hbm>>
      %dma_start3A_88 = arith.constant 0 : i32
      %dma_start3A_89 = tpu.memref_slice %dma_start3A_87[%mul3A_74, %dma_start3A_88] : memref<1024x128xf32, #tpu.memory_space<hbm>> -> memref<64x128xf32, #tpu.memory_space<hbm>>
      %dma_start3A_90 = arith.constant 0 : i32
      %dma_start3A_91 = arith.constant 0 : i32
      %dma_start3A_92 = tpu.memref_slice %arg13[%dma_start3A_90, %dma_start3A_91] : memref<144x128xf32, #tpu.memory_space<vmem>> -> memref<64x128xf32, #tpu.memory_space<vmem>>
      tpu.enqueue_dma source(%dma_start3A_92 : memref<64x128xf32, #tpu.memory_space<vmem>>) target(%dma_start3A_89 : memref<64x128xf32, #tpu.memory_space<hbm>>) target_semaphore(%run_scoped3A : memref<!tpu.dma_semaphore, #tpu.memory_space<semaphore_mem>>)
      %dma_wait3A = arith.constant 0 : i32
      %dma_wait3A_93 = arith.constant 0 : i32
      %dma_wait3A_94 = tpu.memref_slice %arg13[%dma_wait3A, %dma_wait3A_93] : memref<144x128xf32, #tpu.memory_space<vmem>> -> memref<64x128xf32, #tpu.memory_space<vmem>>
      %dma_wait3A_95 = arith.constant 0 : i32
      %dma_wait3A_96 = arith.constant 0 : i32
      %dma_wait3A_97 = tpu.memref_slice %arg7[%arg0, %dma_wait3A_95, %dma_wait3A_96] : memref<2x1024x128xf32, #tpu.memory_space<hbm>> -> memref<1x1024x128xf32, #tpu.memory_space<hbm>>
      %dma_wait3A_98 = tpu.memref_squeeze %dma_wait3A_97 : memref<1x1024x128xf32, #tpu.memory_space<hbm>> -> memref<1024x128xf32, #tpu.memory_space<hbm>>
      %dma_wait3A_99 = arith.constant 0 : i32
      %dma_wait3A_100 = tpu.memref_slice %dma_wait3A_98[%mul3A_74, %dma_wait3A_99] : memref<1024x128xf32, #tpu.memory_space<hbm>> -> memref<64x128xf32, #tpu.memory_space<hbm>>
      %dma_wait3A_101 = arith.constant 0 : i32
      %dma_wait3A_102 = arith.constant 0 : i32
      %dma_wait3A_103 = tpu.memref_slice %arg7[%arg0, %dma_wait3A_101, %dma_wait3A_102] : memref<2x1024x128xf32, #tpu.memory_space<hbm>> -> memref<1x1024x128xf32, #tpu.memory_space<hbm>>
      %dma_wait3A_104 = tpu.memref_squeeze %dma_wait3A_103 : memref<1x1024x128xf32, #tpu.memory_space<hbm>> -> memref<1024x128xf32, #tpu.memory_space<hbm>>
      %dma_wait3A_105 = arith.constant 0 : i32
      %dma_wait3A_106 = tpu.memref_slice %dma_wait3A_104[%mul3A_74, %dma_wait3A_105] : memref<1024x128xf32, #tpu.memory_space<hbm>> -> memref<64x128xf32, #tpu.memory_space<hbm>>
      %dma_wait3A_107 = arith.constant 0 : i32
      %dma_wait3A_108 = arith.constant 0 : i32
      %dma_wait3A_109 = tpu.memref_slice %arg13[%dma_wait3A_107, %dma_wait3A_108] : memref<144x128xf32, #tpu.memory_space<vmem>> -> memref<64x128xf32, #tpu.memory_space<vmem>>
      tpu.wait_dma2 semaphore(%run_scoped3A : memref<!tpu.dma_semaphore, #tpu.memory_space<semaphore_mem>>) src(%dma_wait3A_109 : memref<64x128xf32, #tpu.memory_space<vmem>>) dst(%dma_wait3A_106 : memref<64x128xf32, #tpu.memory_space<hbm>>)
      tpu.yield
    }) : () -> ()
    return
  }
}

#map = affine_map<(d0, d1) -> (0, 0, 0)>
#map1 = affine_map<(d0, d1) -> (0)>
#map2 = affine_map<(d0, d1) -> (0, 0)>
module attributes {stable_mosaic.version = 14 : i64} {
  func.func @_phase2(%arg0: i32, %arg1: i32, %arg2: memref<2x1024x128xf32, #tpu.memory_space<hbm>>, %arg3: memref<1024xi32, #tpu.memory_space<hbm>>, %arg4: memref<1024x128xf32, #tpu.memory_space<hbm>>, %arg5: memref<10016xi32, #tpu.memory_space<vmem>>, %arg6: memref<1040xi32, #tpu.memory_space<vmem>>, %arg7: memref<32xi32, #tpu.memory_space<vmem>>, %arg8: memref<32x128xf32, #tpu.memory_space<vmem>>, %arg9: memref<32x128xf32, #tpu.memory_space<vmem>>, %arg10: memref<32x128xf32, #tpu.memory_space<vmem>>, %arg11: memref<!tpu.dma_semaphore, #tpu.memory_space<semaphore_mem>>) attributes {dimension_semantics = [#tpu.dimension_semantics<core_parallel>, #tpu.dimension_semantics<subcore_parallel>], iteration_bounds = array<i64: 2, 16>, scalar_prefetch = 0 : i64, scratch_operands = 7 : i64, tpu.core_type = #tpu.core_type<sc_vector_subcore>, window_params = [{transform_indices = #map}, {transform_indices = #map1}, {transform_indices = #map2}]} {
    %mul3A = arith.constant 2 : i32
    %mul3A_0 = arith.muli %arg1, %mul3A : i32
    %add3A = arith.addi %mul3A_0, %arg0 : i32
    %mul3A_1 = arith.constant 32 : i32
    %mul3A_2 = arith.muli %add3A, %mul3A_1 : i32
    "tpu.region"() ({
      %run_scoped3A = tpu.sem_alloc : memref<!tpu.dma_semaphore, #tpu.memory_space<semaphore_mem>>
      %dma_start3A_64 = arith.constant 0 : i32
      %dma_start3A_65 = tpu.memref_slice %arg6[%dma_start3A_64] : memref<1040xi32, #tpu.memory_space<vmem>> -> memref<1024xi32, #tpu.memory_space<vmem>>
      %dma_start3A_66 = arith.constant 0 : i32
      %dma_start3A_67 = tpu.memref_slice %arg6[%dma_start3A_66] : memref<1040xi32, #tpu.memory_space<vmem>> -> memref<1024xi32, #tpu.memory_space<vmem>>
      tpu.enqueue_dma source(%arg3 : memref<1024xi32, #tpu.memory_space<hbm>>) target(%dma_start3A_67 : memref<1024xi32, #tpu.memory_space<vmem>>) target_semaphore(%run_scoped3A : memref<!tpu.dma_semaphore, #tpu.memory_space<semaphore_mem>>)
      %dma_wait3A_68 = arith.constant 0 : i32
      %dma_wait3A_69 = tpu.memref_slice %arg6[%dma_wait3A_68] : memref<1040xi32, #tpu.memory_space<vmem>> -> memref<1024xi32, #tpu.memory_space<vmem>>
      %dma_wait3A_70 = arith.constant 0 : i32
      %dma_wait3A_71 = tpu.memref_slice %arg6[%dma_wait3A_70] : memref<1040xi32, #tpu.memory_space<vmem>> -> memref<1024xi32, #tpu.memory_space<vmem>>
      tpu.wait_dma2 semaphore(%run_scoped3A : memref<!tpu.dma_semaphore, #tpu.memory_space<semaphore_mem>>) src(%arg3 : memref<1024xi32, #tpu.memory_space<hbm>>) dst(%dma_wait3A_71 : memref<1024xi32, #tpu.memory_space<vmem>>)
      tpu.yield
    }) : () -> ()
    %broadcast_in_dim3A = arith.constant -1 : i32
    %broadcast_in_dim3A_3 = vector.broadcast %broadcast_in_dim3A : i32 to vector<16xi32>
    %iota3A = tpu.iota {dimensions = array<i32: 0>} : vector<16xi32>
    %eq3A = arith.constant 0 : i32
    %eq3A_4 = vector.broadcast %eq3A : i32 to vector<16xi32>
    %eq3A_5 = arith.cmpi eq, %iota3A, %eq3A_4 : vector<16xi32>
    %scan3A = arith.constant 0 : i32
    %scan3A_6 = arith.constant 0 : i32
    %scan3A_7 = arith.constant 626 : i32
    %scan3A_8 = arith.addi %scan3A_6, %scan3A_7 : i32
    %scan3A_9 = arith.constant 1 : i32
    scf.for %scan3A_64 = %scan3A_6 to %scan3A_8 step %scan3A_9  : i32 {
      %mul3A_65 = arith.constant 16 : i32
      %mul3A_66 = arith.muli %scan3A_64, %mul3A_65 : i32
      %swap3A_67 = arith.index_cast %mul3A_66 : i32 to index
      %swap3A_68 = tpu.vector_load %arg5[%swap3A_67] {strides = array<i32>} : memref<10016xi32, #tpu.memory_space<vmem>>, vector<16xi32>,
      tpu.vector_store %arg5[%swap3A_67], %broadcast_in_dim3A_3 {strides = array<i32>} : memref<10016xi32, #tpu.memory_space<vmem>>, vector<16xi32>,
    }
    %scan3A_10 = arith.constant 626 : i32
    %scan3A_11 = arith.constant 0 : i32
    %scan3A_12 = arith.constant 0 : i32
    %scan3A_13 = arith.constant 1024 : i32
    %scan3A_14 = arith.addi %scan3A_12, %scan3A_13 : i32
    %scan3A_15 = arith.constant 1 : i32
    scf.for %scan3A_64 = %scan3A_12 to %scan3A_14 step %scan3A_15  : i32 {
      %get3A_65 = arith.index_cast %scan3A_64 : i32 to index
      %get3A_66 = tpu.vector_load %arg6[%get3A_65] {strides = array<i32>} : memref<1040xi32, #tpu.memory_space<vmem>>, vector<16xi32>,
      %broadcast_in_dim3A_67 = vector.broadcast %scan3A_64 : i32 to vector<16xi32>
      tpu.vector_store_idx %arg5[%get3A_66], %broadcast_in_dim3A_67 masked %eq3A_5 : memref<10016xi32, #tpu.memory_space<vmem>>[vector<16xi32>], vector<16xi32>, vector<16xi1>
    }
    %scan3A_16 = arith.constant 1024 : i32
    %add3A_17 = arith.constant 0 : i32
    %add3A_18 = arith.addi %mul3A_2, %add3A_17 : i32
    %get3A = arith.index_cast %add3A_18 : i32 to index
    %get3A_19 = tpu.vector_load %arg6[%get3A] {strides = array<i32>} : memref<1040xi32, #tpu.memory_space<vmem>>, vector<16xi32>,
    %gather3A = tpu.vector_load_idx %arg5[%get3A_19] : memref<10016xi32, #tpu.memory_space<vmem>>[vector<16xi32>], vector<16xi32>,
    %swap3A = arith.constant 0 : index
    %swap3A_20 = tpu.vector_load %arg7[%swap3A] {strides = array<i32>} : memref<32xi32, #tpu.memory_space<vmem>>, vector<16xi32>,
    tpu.vector_store %arg7[%swap3A], %gather3A {strides = array<i32>} : memref<32xi32, #tpu.memory_space<vmem>>, vector<16xi32>,
    %add3A_21 = arith.constant 16 : i32
    %add3A_22 = arith.addi %mul3A_2, %add3A_21 : i32
    %get3A_23 = arith.index_cast %add3A_22 : i32 to index
    %get3A_24 = tpu.vector_load %arg6[%get3A_23] {strides = array<i32>} : memref<1040xi32, #tpu.memory_space<vmem>>, vector<16xi32>,
    %gather3A_25 = tpu.vector_load_idx %arg5[%get3A_24] : memref<10016xi32, #tpu.memory_space<vmem>>[vector<16xi32>], vector<16xi32>,
    %swap3A_26 = arith.constant 16 : index
    %swap3A_27 = tpu.vector_load %arg7[%swap3A_26] {strides = array<i32>} : memref<32xi32, #tpu.memory_space<vmem>>, vector<16xi32>,
    tpu.vector_store %arg7[%swap3A_26], %gather3A_25 {strides = array<i32>} : memref<32xi32, #tpu.memory_space<vmem>>, vector<16xi32>,
    %dma_start3A = arith.constant 0 : i32
    %dma_start3A_28 = arith.constant 0 : i32
    %dma_start3A_29 = arith.constant 0 : i32
    %dma_start3A_30 = tpu.memref_slice %arg2[%dma_start3A, %dma_start3A_28, %dma_start3A_29] : memref<2x1024x128xf32, #tpu.memory_space<hbm>> -> memref<1x1024x128xf32, #tpu.memory_space<hbm>>
    %dma_start3A_31 = tpu.memref_squeeze %dma_start3A_30 : memref<1x1024x128xf32, #tpu.memory_space<hbm>> -> memref<1024x128xf32, #tpu.memory_space<hbm>>
    %dma_start3A_32 = arith.constant 0 : i32
    %dma_start3A_33 = arith.constant 0 : i32
    %dma_start3A_34 = tpu.memref_slice %dma_start3A_31[%dma_start3A_32, %dma_start3A_33] : memref<1024x128xf32, #tpu.memory_space<hbm>> -> memref<1024x128xf32, #tpu.memory_space<hbm>>
    tpu.enqueue_indirect_dma source(%dma_start3A_34 : memref<1024x128xf32, #tpu.memory_space<hbm>>) target(%arg8 : memref<32x128xf32, #tpu.memory_space<vmem>>) offsets(%arg7 : memref<32xi32, #tpu.memory_space<vmem>>) semaphore(%arg11 : memref<!tpu.dma_semaphore, #tpu.memory_space<semaphore_mem>>)
    %dma_wait3A = arith.constant 0 : i32
    %dma_wait3A_35 = arith.constant 0 : i32
    %dma_wait3A_36 = arith.constant 0 : i32
    %dma_wait3A_37 = tpu.memref_slice %arg2[%dma_wait3A, %dma_wait3A_35, %dma_wait3A_36] : memref<2x1024x128xf32, #tpu.memory_space<hbm>> -> memref<1x1024x128xf32, #tpu.memory_space<hbm>>
    %dma_wait3A_38 = tpu.memref_squeeze %dma_wait3A_37 : memref<1x1024x128xf32, #tpu.memory_space<hbm>> -> memref<1024x128xf32, #tpu.memory_space<hbm>>
    %dma_wait3A_39 = arith.constant 0 : i32
    %dma_wait3A_40 = arith.constant 0 : i32
    %dma_wait3A_41 = tpu.memref_slice %dma_wait3A_38[%dma_wait3A_39, %dma_wait3A_40] : memref<1024x128xf32, #tpu.memory_space<hbm>> -> memref<1024x128xf32, #tpu.memory_space<hbm>>
    tpu.wait_indirect_dma semaphore(%arg11 : memref<!tpu.dma_semaphore, #tpu.memory_space<semaphore_mem>>) src(%dma_wait3A_41 : memref<1024x128xf32, #tpu.memory_space<hbm>>) dst(%arg8 : memref<32x128xf32, #tpu.memory_space<vmem>>)
    %dma_start3A_42 = arith.constant 1 : i32
    %dma_start3A_43 = arith.constant 0 : i32
    %dma_start3A_44 = arith.constant 0 : i32
    %dma_start3A_45 = tpu.memref_slice %arg2[%dma_start3A_42, %dma_start3A_43, %dma_start3A_44] : memref<2x1024x128xf32, #tpu.memory_space<hbm>> -> memref<1x1024x128xf32, #tpu.memory_space<hbm>>
    %dma_start3A_46 = tpu.memref_squeeze %dma_start3A_45 : memref<1x1024x128xf32, #tpu.memory_space<hbm>> -> memref<1024x128xf32, #tpu.memory_space<hbm>>
    %dma_start3A_47 = arith.constant 0 : i32
    %dma_start3A_48 = arith.constant 0 : i32
    %dma_start3A_49 = tpu.memref_slice %dma_start3A_46[%dma_start3A_47, %dma_start3A_48] : memref<1024x128xf32, #tpu.memory_space<hbm>> -> memref<1024x128xf32, #tpu.memory_space<hbm>>
    tpu.enqueue_indirect_dma source(%dma_start3A_49 : memref<1024x128xf32, #tpu.memory_space<hbm>>) target(%arg9 : memref<32x128xf32, #tpu.memory_space<vmem>>) offsets(%arg7 : memref<32xi32, #tpu.memory_space<vmem>>) semaphore(%arg11 : memref<!tpu.dma_semaphore, #tpu.memory_space<semaphore_mem>>)
    %dma_wait3A_50 = arith.constant 1 : i32
    %dma_wait3A_51 = arith.constant 0 : i32
    %dma_wait3A_52 = arith.constant 0 : i32
    %dma_wait3A_53 = tpu.memref_slice %arg2[%dma_wait3A_50, %dma_wait3A_51, %dma_wait3A_52] : memref<2x1024x128xf32, #tpu.memory_space<hbm>> -> memref<1x1024x128xf32, #tpu.memory_space<hbm>>
    %dma_wait3A_54 = tpu.memref_squeeze %dma_wait3A_53 : memref<1x1024x128xf32, #tpu.memory_space<hbm>> -> memref<1024x128xf32, #tpu.memory_space<hbm>>
    %dma_wait3A_55 = arith.constant 0 : i32
    %dma_wait3A_56 = arith.constant 0 : i32
    %dma_wait3A_57 = tpu.memref_slice %dma_wait3A_54[%dma_wait3A_55, %dma_wait3A_56] : memref<1024x128xf32, #tpu.memory_space<hbm>> -> memref<1024x128xf32, #tpu.memory_space<hbm>>
    tpu.wait_indirect_dma semaphore(%arg11 : memref<!tpu.dma_semaphore, #tpu.memory_space<semaphore_mem>>) src(%dma_wait3A_57 : memref<1024x128xf32, #tpu.memory_space<hbm>>) dst(%arg9 : memref<32x128xf32, #tpu.memory_space<vmem>>)
    %scan3A_58 = arith.constant 0 : i32
    %scan3A_59 = arith.constant 0 : i32
    %scan3A_60 = arith.constant 32 : i32
    %scan3A_61 = arith.addi %scan3A_59, %scan3A_60 : i32
    %scan3A_62 = arith.constant 1 : i32
    scf.for %scan3A_64 = %scan3A_59 to %scan3A_61 step %scan3A_62  : i32 {
      %get3A_65 = arith.index_cast %scan3A_64 : i32 to index
      %get3A_66 = arith.constant 0 : index
      %get3A_67 = tpu.vector_load %arg8[%get3A_65, %get3A_66] {strides = array<i32>} : memref<32x128xf32, #tpu.memory_space<vmem>>, vector<16xf32>,
      %get3A_68 = arith.index_cast %scan3A_64 : i32 to index
      %get3A_69 = arith.constant 0 : index
      %get3A_70 = tpu.vector_load %arg9[%get3A_68, %get3A_69] {strides = array<i32>} : memref<32x128xf32, #tpu.memory_space<vmem>>, vector<16xf32>,
      %add3A_71 = arith.addf %get3A_67, %get3A_70 : vector<16xf32>
      %add3A_72 = arith.constant 1.000000e-15 : f32
      %add3A_73 = vector.broadcast %add3A_72 : f32 to vector<16xf32>
      %add3A_74 = arith.addf %add3A_71, %add3A_73 : vector<16xf32>
      %get3A_75 = arith.index_cast %scan3A_64 : i32 to index
      %get3A_76 = arith.constant 16 : index
      %get3A_77 = tpu.vector_load %arg8[%get3A_75, %get3A_76] {strides = array<i32>} : memref<32x128xf32, #tpu.memory_space<vmem>>, vector<16xf32>,
      %get3A_78 = arith.index_cast %scan3A_64 : i32 to index
      %get3A_79 = arith.constant 16 : index
      %get3A_80 = tpu.vector_load %arg9[%get3A_78, %get3A_79] {strides = array<i32>} : memref<32x128xf32, #tpu.memory_space<vmem>>, vector<16xf32>,
      %add3A_81 = arith.addf %get3A_77, %get3A_80 : vector<16xf32>
      %add3A_82 = arith.constant 1.000000e-15 : f32
      %add3A_83 = vector.broadcast %add3A_82 : f32 to vector<16xf32>
      %add3A_84 = arith.addf %add3A_81, %add3A_83 : vector<16xf32>
      %get3A_85 = arith.index_cast %scan3A_64 : i32 to index
      %get3A_86 = arith.constant 32 : index
      %get3A_87 = tpu.vector_load %arg8[%get3A_85, %get3A_86] {strides = array<i32>} : memref<32x128xf32, #tpu.memory_space<vmem>>, vector<16xf32>,
      %get3A_88 = arith.index_cast %scan3A_64 : i32 to index
      %get3A_89 = arith.constant 32 : index
      %get3A_90 = tpu.vector_load %arg9[%get3A_88, %get3A_89] {strides = array<i32>} : memref<32x128xf32, #tpu.memory_space<vmem>>, vector<16xf32>,
      %add3A_91 = arith.addf %get3A_87, %get3A_90 : vector<16xf32>
      %add3A_92 = arith.constant 1.000000e-15 : f32
      %add3A_93 = vector.broadcast %add3A_92 : f32 to vector<16xf32>
      %add3A_94 = arith.addf %add3A_91, %add3A_93 : vector<16xf32>
      %get3A_95 = arith.index_cast %scan3A_64 : i32 to index
      %get3A_96 = arith.constant 48 : index
      %get3A_97 = tpu.vector_load %arg8[%get3A_95, %get3A_96] {strides = array<i32>} : memref<32x128xf32, #tpu.memory_space<vmem>>, vector<16xf32>,
      %get3A_98 = arith.index_cast %scan3A_64 : i32 to index
      %get3A_99 = arith.constant 48 : index
      %get3A_100 = tpu.vector_load %arg9[%get3A_98, %get3A_99] {strides = array<i32>} : memref<32x128xf32, #tpu.memory_space<vmem>>, vector<16xf32>,
      %add3A_101 = arith.addf %get3A_97, %get3A_100 : vector<16xf32>
      %add3A_102 = arith.constant 1.000000e-15 : f32
      %add3A_103 = vector.broadcast %add3A_102 : f32 to vector<16xf32>
      %add3A_104 = arith.addf %add3A_101, %add3A_103 : vector<16xf32>
      %get3A_105 = arith.index_cast %scan3A_64 : i32 to index
      %get3A_106 = arith.constant 64 : index
      %get3A_107 = tpu.vector_load %arg8[%get3A_105, %get3A_106] {strides = array<i32>} : memref<32x128xf32, #tpu.memory_space<vmem>>, vector<16xf32>,
      %get3A_108 = arith.index_cast %scan3A_64 : i32 to index
      %get3A_109 = arith.constant 64 : index
      %get3A_110 = tpu.vector_load %arg9[%get3A_108, %get3A_109] {strides = array<i32>} : memref<32x128xf32, #tpu.memory_space<vmem>>, vector<16xf32>,
      %add3A_111 = arith.addf %get3A_107, %get3A_110 : vector<16xf32>
      %add3A_112 = arith.constant 1.000000e-15 : f32
      %add3A_113 = vector.broadcast %add3A_112 : f32 to vector<16xf32>
      %add3A_114 = arith.addf %add3A_111, %add3A_113 : vector<16xf32>
      %get3A_115 = arith.index_cast %scan3A_64 : i32 to index
      %get3A_116 = arith.constant 80 : index
      %get3A_117 = tpu.vector_load %arg8[%get3A_115, %get3A_116] {strides = array<i32>} : memref<32x128xf32, #tpu.memory_space<vmem>>, vector<16xf32>,
      %get3A_118 = arith.index_cast %scan3A_64 : i32 to index
      %get3A_119 = arith.constant 80 : index
      %get3A_120 = tpu.vector_load %arg9[%get3A_118, %get3A_119] {strides = array<i32>} : memref<32x128xf32, #tpu.memory_space<vmem>>, vector<16xf32>,
      %add3A_121 = arith.addf %get3A_117, %get3A_120 : vector<16xf32>
      %add3A_122 = arith.constant 1.000000e-15 : f32
      %add3A_123 = vector.broadcast %add3A_122 : f32 to vector<16xf32>
      %add3A_124 = arith.addf %add3A_121, %add3A_123 : vector<16xf32>
      %get3A_125 = arith.index_cast %scan3A_64 : i32 to index
      %get3A_126 = arith.constant 96 : index
      %get3A_127 = tpu.vector_load %arg8[%get3A_125, %get3A_126] {strides = array<i32>} : memref<32x128xf32, #tpu.memory_space<vmem>>, vector<16xf32>,
      %get3A_128 = arith.index_cast %scan3A_64 : i32 to index
      %get3A_129 = arith.constant 96 : index
      %get3A_130 = tpu.vector_load %arg9[%get3A_128, %get3A_129] {strides = array<i32>} : memref<32x128xf32, #tpu.memory_space<vmem>>, vector<16xf32>,
      %add3A_131 = arith.addf %get3A_127, %get3A_130 : vector<16xf32>
      %add3A_132 = arith.constant 1.000000e-15 : f32
      %add3A_133 = vector.broadcast %add3A_132 : f32 to vector<16xf32>
      %add3A_134 = arith.addf %add3A_131, %add3A_133 : vector<16xf32>
      %get3A_135 = arith.index_cast %scan3A_64 : i32 to index
      %get3A_136 = arith.constant 112 : index
      %get3A_137 = tpu.vector_load %arg8[%get3A_135, %get3A_136] {strides = array<i32>} : memref<32x128xf32, #tpu.memory_space<vmem>>, vector<16xf32>,
      %get3A_138 = arith.index_cast %scan3A_64 : i32 to index
      %get3A_139 = arith.constant 112 : index
      %get3A_140 = tpu.vector_load %arg9[%get3A_138, %get3A_139] {strides = array<i32>} : memref<32x128xf32, #tpu.memory_space<vmem>>, vector<16xf32>,
      %add3A_141 = arith.addf %get3A_137, %get3A_140 : vector<16xf32>
      %add3A_142 = arith.constant 1.000000e-15 : f32
      %add3A_143 = vector.broadcast %add3A_142 : f32 to vector<16xf32>
      %add3A_144 = arith.addf %add3A_141, %add3A_143 : vector<16xf32>
      %mul3A_145 = arith.mulf %add3A_74, %add3A_74 : vector<16xf32>
      %mul3A_146 = arith.mulf %add3A_84, %add3A_84 : vector<16xf32>
      %add3A_147 = arith.addf %mul3A_145, %mul3A_146 : vector<16xf32>
      %mul3A_148 = arith.mulf %add3A_94, %add3A_94 : vector<16xf32>
      %add3A_149 = arith.addf %add3A_147, %mul3A_148 : vector<16xf32>
      %mul3A_150 = arith.mulf %add3A_104, %add3A_104 : vector<16xf32>
      %add3A_151 = arith.addf %add3A_149, %mul3A_150 : vector<16xf32>
      %mul3A_152 = arith.mulf %add3A_114, %add3A_114 : vector<16xf32>
      %add3A_153 = arith.addf %add3A_151, %mul3A_152 : vector<16xf32>
      %mul3A_154 = arith.mulf %add3A_124, %add3A_124 : vector<16xf32>
      %add3A_155 = arith.addf %add3A_153, %mul3A_154 : vector<16xf32>
      %mul3A_156 = arith.mulf %add3A_134, %add3A_134 : vector<16xf32>
      %add3A_157 = arith.addf %add3A_155, %mul3A_156 : vector<16xf32>
      %mul3A_158 = arith.mulf %add3A_144, %add3A_144 : vector<16xf32>
      %add3A_159 = arith.addf %add3A_157, %mul3A_158 : vector<16xf32>
      %bitcast3A = vector.bitcast %add3A_159 : vector<16xf32> to vector<16xi32>
      %shift_right_arithmetic3A = arith.constant 1 : i32
      %shift_right_arithmetic3A_160 = vector.broadcast %shift_right_arithmetic3A : i32 to vector<16xi32>
      %shift_right_arithmetic3A_161 = arith.shrsi %bitcast3A, %shift_right_arithmetic3A_160 : vector<16xi32>
      %sub3A = arith.constant 1597463007 : i32
      %sub3A_162 = vector.broadcast %sub3A : i32 to vector<16xi32>
      %sub3A_163 = arith.subi %sub3A_162, %shift_right_arithmetic3A_161 : vector<16xi32>
      %bitcast3A_164 = vector.bitcast %sub3A_163 : vector<16xi32> to vector<16xf32>
      %mul3A_165 = arith.constant 5.000000e-01 : f32
      %mul3A_166 = vector.broadcast %mul3A_165 : f32 to vector<16xf32>
      %mul3A_167 = arith.mulf %mul3A_166, %add3A_159 : vector<16xf32>
      %mul3A_168 = arith.mulf %mul3A_167, %bitcast3A_164 : vector<16xf32>
      %mul3A_169 = arith.mulf %mul3A_168, %bitcast3A_164 : vector<16xf32>
      %sub3A_170 = arith.constant 1.500000e+00 : f32
      %sub3A_171 = vector.broadcast %sub3A_170 : f32 to vector<16xf32>
      %sub3A_172 = arith.subf %sub3A_171, %mul3A_169 : vector<16xf32>
      %mul3A_173 = arith.mulf %bitcast3A_164, %sub3A_172 : vector<16xf32>
      %mul3A_174 = arith.constant 5.000000e-01 : f32
      %mul3A_175 = vector.broadcast %mul3A_174 : f32 to vector<16xf32>
      %mul3A_176 = arith.mulf %mul3A_175, %add3A_159 : vector<16xf32>
      %mul3A_177 = arith.mulf %mul3A_176, %mul3A_173 : vector<16xf32>
      %mul3A_178 = arith.mulf %mul3A_177, %mul3A_173 : vector<16xf32>
      %sub3A_179 = arith.constant 1.500000e+00 : f32
      %sub3A_180 = vector.broadcast %sub3A_179 : f32 to vector<16xf32>
      %sub3A_181 = arith.subf %sub3A_180, %mul3A_178 : vector<16xf32>
      %mul3A_182 = arith.mulf %mul3A_173, %sub3A_181 : vector<16xf32>
      %mul3A_183 = arith.constant 5.000000e-01 : f32
      %mul3A_184 = vector.broadcast %mul3A_183 : f32 to vector<16xf32>
      %mul3A_185 = arith.mulf %mul3A_184, %add3A_159 : vector<16xf32>
      %mul3A_186 = arith.mulf %mul3A_185, %mul3A_182 : vector<16xf32>
      %mul3A_187 = arith.mulf %mul3A_186, %mul3A_182 : vector<16xf32>
      %sub3A_188 = arith.constant 1.500000e+00 : f32
      %sub3A_189 = vector.broadcast %sub3A_188 : f32 to vector<16xf32>
      %sub3A_190 = arith.subf %sub3A_189, %mul3A_187 : vector<16xf32>
      %mul3A_191 = arith.mulf %mul3A_182, %sub3A_190 : vector<16xf32>
      %min3A = arith.constant 9.99999995E+11 : f32
      %min3A_192 = vector.broadcast %min3A : f32 to vector<16xf32>
      %min3A_193 = arith.minimumf %mul3A_191, %min3A_192 : vector<16xf32>
      %mul3A_194 = arith.mulf %add3A_74, %min3A_193 : vector<16xf32>
      %swap3A_195 = arith.index_cast %scan3A_64 : i32 to index
      %swap3A_196 = arith.constant 0 : index
      %swap3A_197 = tpu.vector_load %arg10[%swap3A_195, %swap3A_196] {strides = array<i32>} : memref<32x128xf32, #tpu.memory_space<vmem>>, vector<16xf32>,
      tpu.vector_store %arg10[%swap3A_195, %swap3A_196], %mul3A_194 {strides = array<i32>} : memref<32x128xf32, #tpu.memory_space<vmem>>, vector<16xf32>,
      %mul3A_198 = arith.mulf %add3A_84, %min3A_193 : vector<16xf32>
      %swap3A_199 = arith.index_cast %scan3A_64 : i32 to index
      %swap3A_200 = arith.constant 16 : index
      %swap3A_201 = tpu.vector_load %arg10[%swap3A_199, %swap3A_200] {strides = array<i32>} : memref<32x128xf32, #tpu.memory_space<vmem>>, vector<16xf32>,
      tpu.vector_store %arg10[%swap3A_199, %swap3A_200], %mul3A_198 {strides = array<i32>} : memref<32x128xf32, #tpu.memory_space<vmem>>, vector<16xf32>,
      %mul3A_202 = arith.mulf %add3A_94, %min3A_193 : vector<16xf32>
      %swap3A_203 = arith.index_cast %scan3A_64 : i32 to index
      %swap3A_204 = arith.constant 32 : index
      %swap3A_205 = tpu.vector_load %arg10[%swap3A_203, %swap3A_204] {strides = array<i32>} : memref<32x128xf32, #tpu.memory_space<vmem>>, vector<16xf32>,
      tpu.vector_store %arg10[%swap3A_203, %swap3A_204], %mul3A_202 {strides = array<i32>} : memref<32x128xf32, #tpu.memory_space<vmem>>, vector<16xf32>,
      %mul3A_206 = arith.mulf %add3A_104, %min3A_193 : vector<16xf32>
      %swap3A_207 = arith.index_cast %scan3A_64 : i32 to index
      %swap3A_208 = arith.constant 48 : index
      %swap3A_209 = tpu.vector_load %arg10[%swap3A_207, %swap3A_208] {strides = array<i32>} : memref<32x128xf32, #tpu.memory_space<vmem>>, vector<16xf32>,
      tpu.vector_store %arg10[%swap3A_207, %swap3A_208], %mul3A_206 {strides = array<i32>} : memref<32x128xf32, #tpu.memory_space<vmem>>, vector<16xf32>,
      %mul3A_210 = arith.mulf %add3A_114, %min3A_193 : vector<16xf32>
      %swap3A_211 = arith.index_cast %scan3A_64 : i32 to index
      %swap3A_212 = arith.constant 64 : index
      %swap3A_213 = tpu.vector_load %arg10[%swap3A_211, %swap3A_212] {strides = array<i32>} : memref<32x128xf32, #tpu.memory_space<vmem>>, vector<16xf32>,
      tpu.vector_store %arg10[%swap3A_211, %swap3A_212], %mul3A_210 {strides = array<i32>} : memref<32x128xf32, #tpu.memory_space<vmem>>, vector<16xf32>,
      %mul3A_214 = arith.mulf %add3A_124, %min3A_193 : vector<16xf32>
      %swap3A_215 = arith.index_cast %scan3A_64 : i32 to index
      %swap3A_216 = arith.constant 80 : index
      %swap3A_217 = tpu.vector_load %arg10[%swap3A_215, %swap3A_216] {strides = array<i32>} : memref<32x128xf32, #tpu.memory_space<vmem>>, vector<16xf32>,
      tpu.vector_store %arg10[%swap3A_215, %swap3A_216], %mul3A_214 {strides = array<i32>} : memref<32x128xf32, #tpu.memory_space<vmem>>, vector<16xf32>,
      %mul3A_218 = arith.mulf %add3A_134, %min3A_193 : vector<16xf32>
      %swap3A_219 = arith.index_cast %scan3A_64 : i32 to index
      %swap3A_220 = arith.constant 96 : index
      %swap3A_221 = tpu.vector_load %arg10[%swap3A_219, %swap3A_220] {strides = array<i32>} : memref<32x128xf32, #tpu.memory_space<vmem>>, vector<16xf32>,
      tpu.vector_store %arg10[%swap3A_219, %swap3A_220], %mul3A_218 {strides = array<i32>} : memref<32x128xf32, #tpu.memory_space<vmem>>, vector<16xf32>,
      %mul3A_222 = arith.mulf %add3A_144, %min3A_193 : vector<16xf32>
      %swap3A_223 = arith.index_cast %scan3A_64 : i32 to index
      %swap3A_224 = arith.constant 112 : index
      %swap3A_225 = tpu.vector_load %arg10[%swap3A_223, %swap3A_224] {strides = array<i32>} : memref<32x128xf32, #tpu.memory_space<vmem>>, vector<16xf32>,
      tpu.vector_store %arg10[%swap3A_223, %swap3A_224], %mul3A_222 {strides = array<i32>} : memref<32x128xf32, #tpu.memory_space<vmem>>, vector<16xf32>,
    }
    %scan3A_63 = arith.constant 32 : i32
    "tpu.region"() ({
      %run_scoped3A = tpu.sem_alloc : memref<!tpu.dma_semaphore, #tpu.memory_space<semaphore_mem>>
      %dma_start3A_64 = arith.constant 0 : i32
      %dma_start3A_65 = tpu.memref_slice %arg4[%mul3A_2, %dma_start3A_64] : memref<1024x128xf32, #tpu.memory_space<hbm>> -> memref<32x128xf32, #tpu.memory_space<hbm>>
      %dma_start3A_66 = arith.constant 0 : i32
      %dma_start3A_67 = tpu.memref_slice %arg4[%mul3A_2, %dma_start3A_66] : memref<1024x128xf32, #tpu.memory_space<hbm>> -> memref<32x128xf32, #tpu.memory_space<hbm>>
      tpu.enqueue_dma source(%arg10 : memref<32x128xf32, #tpu.memory_space<vmem>>) target(%dma_start3A_67 : memref<32x128xf32, #tpu.memory_space<hbm>>) target_semaphore(%run_scoped3A : memref<!tpu.dma_semaphore, #tpu.memory_space<semaphore_mem>>)
      %dma_wait3A_68 = arith.constant 0 : i32
      %dma_wait3A_69 = tpu.memref_slice %arg4[%mul3A_2, %dma_wait3A_68] : memref<1024x128xf32, #tpu.memory_space<hbm>> -> memref<32x128xf32, #tpu.memory_space<hbm>>
      %dma_wait3A_70 = arith.constant 0 : i32
      %dma_wait3A_71 = tpu.memref_slice %arg4[%mul3A_2, %dma_wait3A_70] : memref<1024x128xf32, #tpu.memory_space<hbm>> -> memref<32x128xf32, #tpu.memory_space<hbm>>
      tpu.wait_dma2 semaphore(%run_scoped3A : memref<!tpu.dma_semaphore, #tpu.memory_space<semaphore_mem>>) src(%arg10 : memref<32x128xf32, #tpu.memory_space<vmem>>) dst(%dma_wait3A_71 : memref<32x128xf32, #tpu.memory_space<hbm>>)
      tpu.yield
    }) : () -> ()
    return
  }
}

</mosaic_0001>

<sc_bundles>
// kernel: kernel.4.cloned.1.call-start
scs
__scs_entry_jumppad:
0x0: {  	(pc) =	sbr.rel $0x88, $3  }
0x1: {  	(tag) =	ssettag $0x0;
	lr =	simm.s32 $0x1  }
0x2: {  	[smem:$0x3F9D] =	sst lr;
	_ =	strace $0xD0000000  }
0x3: {  	_ = 	snop  }
0x4: {  	_ = 	snop  }
0x5: {  	_ = 	snop  }
0x6: {  	_ = 	snop  }
0x7: {  	_ = 	snop  }
__scs_overlays_trampoline_lowered:
0x8: {  	[smem:$0x3FAC] =	sst s0  }
0x9: {  	[smem:$0x3FAD] =	sst s1  }
0xa: {  	[smem:$0x3FAE] =	sst s2  }
0xb: {  	[smem:$0x3FAF] =	sst s3  }
0xc: {  	[smem:$0x3FB0] =	sst s4  }
0xd: {  	[smem:$0x3FB1] =	sst s5  }
0xe: {  	[smem:$0x3FB2] =	sst s6  }
0xf: {  	[smem:$0x3FB3] =	sst s7  }
0x10: {  	[smem:$0x3FB4] =	sst s8  }
0x11: {  	[smem:$0x3FB5] =	sst s9;
	s0 =	simm.s32 @!p0 $0x0  }
0x12: {  	s1 =	sld [smem:$0x3F9B];
	s0 =	simm.s32 @p0 $0x1  }
0x13: {  	[smem:$0x3FB6] =	sst s0;
	s0 =	simm.s32 @!p1 $0x0  }
0x14: {  	s2 =	sld [smem:$0x3F9A];
	s0 =	simm.s32 @p1 $0x1  }
0x15: {  	[smem:$0x3FB7] =	sst s0;
	s0 =	simm.s32 @!p2 $0x0  }
0x16: {  	s3 =	sld [smem:$0x3FDB];
	s0 =	simm.s32 @p2 $0x1  }
0x17: {  	s4 =	simm.s32 $0x1BF5;
	[smem:$0x3FB9] =	sst s0  }
0x18: {  	s0 =	sld [smem:$0x3F9C];
	_ =	swait.ge [sflag:s4], $0x0  }
0x19: {  	s7 =	sld [smem:$0x3F9D]  }
0x1a: {  	s8 =	sadd.s32 $0xFFFFE003, lr  }
0x1b: {  	s9 =	sadd.s32 $0xFFFFFEF7, lr;
	s5 =	simm.s32 $0xFFFFFFFF;
	p2 =	slt.u32 s8, $0xFFFFF086  }
0x1c: {  	p1 =	slt.u32 s9, $0xF7A;
	s5 =	simm.s32 @!p2 $0x0  }
0x1d: {  	s5 =	simm.s32 @p1 $0x1;
	p0 =	seq.s32 s7, s2  }
0x1e: {  	s7 =	smul.u32 @!p0 $0xF7A, s2;
	p2 =	seq.s32 @!p0 s5, $0x0  }
0x1f: {  	s9 =	smul.u32 $0xF7A, s1;
	s8 =	simm.s32 @!p0 $0x1BF5;
	p2 =	por !p2, p0  }
0x20: {  	[sflag:s8] =	ssyncset.s32 @!p0 $0xFFFFF086;
	s6 =	sadd.s32 @!p0 s3, s7;
	s7 =	simm.s32 @!p0 $0x108  }
0x21: {  	s3 =	sadd.s32 s3, s9;
	s6 =	sadd.s32 @!p0 $0x88, s6;
	s7 =	simm.s32 @p2 $0x1082  }
0x22: {  	[simem:s7], [sflag:s8] =	dma.local @!p0 [hbm:s6], $0xF7A  }
0x23: {  	s9 =	sor.u32 $0xD0000000, s2;
	s6 =	simm.s32 $0x108;
	_ =	swait.ge @!p0 [sflag:s8], $0x0  }
0x24: {  	s3 =	sadd.s32 $0x88, s3;
	s6 =	simm.s32 @!p1 $0x1082;
	[sflag:s4] =	ssyncset.s32 $0xFFFFF086  }
0x25: {  	[simem:s6], [sflag:s4] =	dma.local [hbm:s3], $0xF7A  }
0x26: {  	[smem:$0x3F9D] =	sst s1;
	(tag) =	ssettag s2;
	_ =	strace s9  }
0x27: {  	s1 =	sld [smem:$0x3FAD]  }
0x28: {  	s2 =	sld [smem:$0x3FAE]  }
0x29: {  	s4 =	sld [smem:$0x3FB0]  }
0x2a: {  	p0 =	seq.s32 s5, $0x0;
	s5 =	sld [smem:$0x3FB1]  }
0x2b: {  	s6 =	sld [smem:$0x3FB2]  }
0x2c: {  	s7 =	sld [smem:$0x3FB3]  }
0x2d: {  	s3 =	simm.s32 $0x108;
	s8 =	sld [smem:$0x3FB4]  }
0x2e: {  	s3 =	simm.s32 @!p0 $0x1082;
	s9 =	sld [smem:$0x3FB5]  }
0x2f: {  	lr =	sadd.s32 s0, s3;
	s0 =	sld [smem:$0x3FAC]  }
0x30: {  	s3 =	sld [smem:$0x3FAF]  }
0x31: {  	[smem:$0x3FB8] =	sst s10  }
0x32: {  	s10 =	sld [smem:$0x3FB6];
	_ =	sdelay $0x3  }
0x33: {  	p0 =	seq.s32 s10, $0x1;
	s10 =	sld [smem:$0x3FB8];
	_ =	sdelay $0x3  }
0x34: {  	[smem:$0x3FB8] =	sst s10  }
0x35: {  	s10 =	sld [smem:$0x3FB7];
	_ =	sdelay $0x3  }
0x36: {  	p1 =	seq.s32 s10, $0x1;
	s10 =	sld [smem:$0x3FB8];
	_ =	sdelay $0x3  }
0x37: {  	[smem:$0x3FB8] =	sst s10  }
0x38: {  	s10 =	sld [smem:$0x3FB9]  }
0x39: {  	_ = 	snop;
	(pc) =	sbr.ind lr, $3  }
0x3a: {  	_ = 	snop  }
0x3b: {  	_ = 	snop  }
0x3c: {  	p2 =	seq.s32 s10, $0x1;
	s10 =	sld [smem:$0x3FB8]  }
0x3d: {  	_ =	shalt  }
0x3e: {  	_ =	shalt  }
0x3f: {  	_ =	shalt  }
0x40: {  	_ =	shalt  }
0x41: {  	_ =	shalt  }
0x42: {  	_ =	shalt  }
0x43: {  	_ =	shalt  }
0x44: {  	_ =	shalt  }
0x45: {  	_ =	shalt  }
0x46: {  	_ =	shalt  }
0x47: {  	_ =	shalt  }
0x48: {  	_ =	shalt  }
0x49: {  	_ =	shalt  }
0x4a: {  	_ =	shalt  }
0x4b: {  	_ =	shalt  }
0x4c: {  	_ =	shalt  }
0x4d: {  	_ =	shalt  }
0x4e: {  	_ =	shalt  }
0x4f: {  	_ =	shalt  }
0x50: {  	_ =	shalt  }
0x51: {  	_ =	shalt  }
0x52: {  	_ =	shalt  }
0x53: {  	_ =	shalt  }
0x54: {  	_ =	shalt  }
0x55: {  	_ =	shalt  }
0x56: {  	_ =	shalt  }
0x57: {  	_ =	shalt  }
0x58: {  	_ =	shalt  }
0x59: {  	_ =	shalt  }
0x5a: {  	_ =	shalt  }
0x5b: {  	_ =	shalt  }
0x5c: {  	_ =	shalt  }
0x5d: {  	_ =	shalt  }
0x5e: {  	_ =	shalt  }
0x5f: {  	_ =	shalt  }
0x60: {  	_ =	shalt  }
0x61: {  	_ =	shalt  }
0x62: {  	_ =	shalt  }
0x63: {  	_ =	shalt  }
0x64: {  	_ =	shalt  }
0x65: {  	_ =	shalt  }
0x66: {  	_ =	shalt  }
0x67: {  	_ =	shalt  }
0x68: {  	_ =	shalt  }
0x69: {  	_ =	shalt  }
0x6a: {  	_ =	shalt  }
0x6b: {  	_ =	shalt  }
0x6c: {  	_ =	shalt  }
0x6d: {  	_ =	shalt  }
0x6e: {  	_ =	shalt  }
0x6f: {  	_ =	shalt  }
0x70: {  	_ =	shalt  }
0x71: {  	_ =	shalt  }
0x72: {  	_ =	shalt  }
0x73: {  	_ =	shalt  }
0x74: {  	_ =	shalt  }
0x75: {  	_ =	shalt  }
0x76: {  	_ =	shalt  }
0x77: {  	_ =	shalt  }
0x78: {  	_ =	shalt  }
0x79: {  	_ =	shalt  }
0x7a: {  	_ =	shalt  }
0x7b: {  	_ =	shalt  }
0x7c: {  	_ =	shalt  }
0x7d: {  	_ =	shalt  }
0x7e: {  	_ =	shalt  }
0x7f: {  	_ =	shalt  }
0x80: {  	_ =	shalt  }
0x81: {  	_ =	shalt  }
0x82: {  	_ =	shalt  }
0x83: {  	_ =	shalt  }
0x84: {  	_ =	shalt  }
0x85: {  	_ =	shalt  }
0x86: {  	_ =	shalt  }
0x87: {  	_ =	shalt  }
.Lfunc_end0:
.L_simem_size_0:
called_computation_lowered:
.L_overlay_start_0:
0x88: {  	s2 =	sld [smem:$0x3FD9]  }
0x89: {  	s3 =	sld [smem:$0x3FFE];
	_ =	sdelay $0x1  }
0x8a: {  	s1 =	srdreg.scid  }
0x8b: {  	s0 =	sand.u32 $0x1, s1  }
0x8c: {  	s14 =	sshll.u32 s0, $0xA;
	s2 =	sadd.s32 s3, s2  }
0x8d: {  	s2 =	sadd.s32 s2, s14  }
0x8e: {  	[smem:$0x3FC4] =	sst s2  }
0x8f: {  	_ = 	snop  }
0x90: {  	s2 =	sld [smem:$0x3FD0];
	_ =	sdelay $0x2  }
0x91: {  	s4 =	simm.s32 $0xA;
	s5 =	simm.s32 $0x10;
	s15 =	sld [smem:$0x3FC6]  }
0x92: {  	[smem:s5], [sflag:s4] =	dma.local [hbm:s2], $0x1  }
0x93: {  	_ =	swait.eq [sflag:s4], $0x1  }
0x94: {  	[sflag:s4] =	ssyncset.done $0x0  }
0x95: {  	[sflag:s4] =	ssyncadd.s32 $0xFFFFFFFF  }
0x96: {  	s16 =	sld [smem:$0x11];
	(tm) =	ssettm $0x1  }
0x97: {  	s17 =	sld [smem:$0x3FFB];
	_ =	sdelay $0x3  }
0x98: {  	_ =	strace s17  }
0x99: {  	s4 =	sld [smem:$0x3FFC];
	_ =	sdelay $0x3  }
0x9a: {  	_ =	strace s4  }
0x9b: {  	s4 =	sld [smem:$0x3FFD];
	_ =	sdelay $0x3  }
0x9c: {  	_ =	strace s4  }
0x9d: {  	_ =	strace $0x8FFFFFFF  }
0x9e: {  	s18 =	sld [smem:$0x3FDB];
	_ =	sdelay $0x1  }
0x9f: {  	s19 =	simm.s32 $_scs_section_size  }
0xa0: {  	s6 =	simm.s32 $_size__tile_overlayer_lowered;
	s7 =	simm.s32 $_tile_overlayer_lowered  }
0xa1: {  	s22 =	simm.s32 $0x1BFF;
	s21 =	sshll.u32 s7, $0x1;
	s4 =	sadd.s32 s19, s18  }
0xa2: {  	s8 =	simm.s32 $0x0;
	s20 =	sshll.u32 s6, $0x1;
	s6 =	sadd.s32 s21, s4  }
0xa3: {  	[timem:s8], [sflag:s22] =	dma.local [hbm:s6], s20  }
0xa4: {  	_ =	swait.ge [sflag:s22], s20  }
0xa5: {  	s5 =	ssub.s32 $0x0, s20;
	[sflag:s22] =	ssyncset.done $0x0  }
0xa6: {  	[sflag:s22] =	ssyncadd.s32 s5;
	_ =	sdelay $0x1  }
0xa7: {  	s23 =	simm.s32 $0x1B8B  }
0xa8: {  	_ =	swait.ge [sflag:s23], $0x1  }
0xa9: {  	[sflag:s23] =	ssyncset.done $0x0  }
0xaa: {  	s25 =	simm.s32 $0x1B8E;
	s24 =	sld [smem:$0x3FFE];
	[sflag:s23] =	ssyncadd.s32 $0xFFFFFFFF  }
0xab: {  	s26 =	simm.s32 $execute0_lowered;
	[smem:$0x3FD2] =	sst s25  }
0xac: {  	s6 =	sshll.u32 s26, $0x1;
	_ =	strace $0x80000046;
	[dreg:$0x1] =	wrdreg $0xFFFFFFFF  }
0xad: {  	s28 =	simm.s32 $_size_execute0_lowered;
	s4 =	sadd.s32 s4, s6;
	[dreg:$0x0] =	wrdreg $0x0  }
0xae: {  	s6 =	sshll.u32 s28, $0x1;
	[dreg:$0x2] =	wrdreg s4  }
0xaf: {  	[dreg:$0x3] =	wrdreg s6  }
0xb0: {  	[dreg:$0x4] =	wrdreg $0xC0  }
0xb1: {  	_ =	task [dreg:s8], $0x5FFFF  }
0xb2: {  	[dreg:$0x1] =	wrdreg $0xFFFFFFFF  }
0xb3: {  	[dreg:$0x0] =	wrdreg $0x60  }
0xb4: {  	[dreg:$0x2] =	wrdreg s24  }
0xb5: {  	[dreg:$0x3] =	wrdreg s16  }
0xb6: {  	[dreg:$0x4] =	wrdreg s15  }
0xb7: {  	[dreg:$0x5] =	wrdreg $0x0  }
0xb8: {  	[dreg:$0x6] =	wrdreg $0x9  }
0xb9: {  	_ =	task.clear_ibuf [dreg:s8], $0x7FFFF;
	_ =	strace $0x90000046  }
0xba: {  	s29 =	simm.s32 $0x9;
	_ =	strace $0x80000048  }
0xbb: {  	_ =	swait.ge [sflag:s29], $0x1  }
0xbc: {  	[sflag:s29] =	ssyncadd.s32 $0xFFFFFFFF  }
0xbd: {  	_ =	strace $0x90000048  }
0xbe: {  	_ =	sfence  }
0xbf: {  	s30 =	sld [smem:$0x0];
	_ =	sdelay $0x2  }
0xc0: {  	s31 =	sshll.u32 s1, $0xD;
	s1 =	sshrl.u32 s1, $0x2  }
0xc1: {  	s3 =	sand.u32 $0x4000, s31;
	s1 =	sadd.s32 s1, s30  }
0xc2: {  	s0 =	sor.u32 s3, s0;
	s1 =	sshll.u32 s1, $0x11  }
0xc3: {  	s0 =	sor.u32 s1, s0  }
0xc4: {  	s0 =	sadd.s32 $0x8F2B, s0  }
0xc5: {  	[sflag:s0] =	ssyncadd.remote.s32 $0x1  }
0xc6: {  	_ =	sfence.sel $0xFFFF  }
0xc7: {  	[dreg:$0x0] =	wrdreg $0xFFFFFFFF;
	(pc) =	sbr.abs _section_cstart, $3  }
0xc8: {  	[dreg:$0x1] =	wrdreg $0xFFFFFFFF  }
0xc9: {  	_ =	task.clear_ibuf [dreg:s8], $0x2FFFF;
	_ =	strace $0x9FFFFFFF  }
0xca: {  	(tm) =	ssettm $0x7FFFFFFF  }
0xcb: {  	_ =	shalt  }
tec
execute0_lowered:
.L_overlay_start_1:
0x0: {  	(tag) =	ssettag $0x1  }
0x1: {  	s0 =	rddreg [dreg:$0x0]  }
0x2: {  	s1 =	rddreg [dreg:$0x1]  }
0x3: {  	s3 =	rddreg [dreg:$0x3];
	s4 =	simm.s32 $0x0  }
0x4: {  	s2 =	srdreg.scid;
	s12 =	stileid.u32;
	s17 =	simm.s32 $0x4  }
0x5: {  	s18 =	simm.s32 $0x2400;
	s19 =	simm.s32 $0xF000;
	s28 =	simm.s32 $0x3  }
0x6: {  	s29 =	simm.s32 $0x13800;
	s30 =	simm.s32 $0x16100;
	s31 =	simm.s32 $0x16180  }
0x7: {  	[smem:$0x7FF] =	sst s4;
	s2 =	sand.u32 $0x1, s2;
	s6 =	sadd.s32 $0x800, s0  }
0x8: {  	s7 =	sadd.s32 $0xA600, s0;
	s8 =	sadd.s32 $0x4EC600, s0;
	s9 =	smul.u32 $0x2710, s12  }
0x9: {  	s11 =	smul.u32 $0x9000, s12;
	s25 =	sshll.u32 s12, $0xD;
	s26 =	sshll.u32 s12, $0xA  }
0xa: {  	_ =	strace $0x80000047;
	s5 =	smul.u32 $0x27100, s2;
	s10 =	sshll.u32 s2, $0xE  }
0xb: {  	s2 =	ssub.s32 $0x2, s2;
	s0 =	sadd.s32 s10, s0;
	s21 =	sshrl.u32 s11, $0x2  }
0xc: {  	s20 =	sshrl.u32 s2, $0x1;
	s9 =	sadd.s32 s9, s5;
	s5 =	sadd.s32 s21, s3  }
0xd: {  	s2 =	ssub.s32 s2, s20;
	s22 =	sshrl.u32 s9, $0x3;
	[dreg:$0x5] =	wrdreg s5  }
0xe: {  	s23 =	sshll.u32 s9, $0x4;
	s2 =	smax.u32 s2, $0x1;
	s11 =	sadd.s32 s6, s22  }
.Ltmp0:
0xf: {  	s5 =	sadd.s32 s7, s23;
	[dreg:$0x9] =	wrdreg s2;
	(pc) =	sbr.rel .LBB2_1-.Ltmp0, $4  }
0x10: {  	s0 =	sadd.s32 $0x9CE600, s0;
	[dreg:$0x6] =	wrdreg s5;
	s24 =	sadd.s32 $0xA, s11  }
0x11: {  	s21 =	simm.s32 $0x5000;
	s5 =	sadd.s32 s25, s3;
	[dreg:$0x7] =	wrdreg s24  }
0x12: {  	v0 =	vimm.s32 $0xFFFFFFFF;
	v1 =	vimm.s32 $0x0;
	s23 =	simm.s32 $0xA000;
	[dreg:$0x8] =	wrdreg s5;
	s24 =	sadd.s32 s26, s0  }
0x13: {  	v2 =	vimm.f32 $0.0e+00;
	v3 =	vlaneseq.u32;
	v4 =	vimm.s32 $0x400;
	s26 =	simm.s32 $0x2;
	s0 =	simm.s32 $0x40;
	s5 =	simm.s32 $0x0  }
.LBB2_21:
0x14: {  	[bflag:$0x0] =	sbarrier.arrive $0xFFFF  }
0x15: {  	s2 =	rddreg [dreg:$0x8]  }
0x16: {  	[tilespmem:s19], [sflag:$0x4] =	stream.linear.gather [spmem:s2], $0x2000, $0x38;
	[tilespmem:$0x16380] =	vst v63  }
0x17: {  	_ =	swait.ge [sflag:s17], $0x2000  }
0x18: {  	[sflag:s17] =	ssyncset.done $0x0  }
0x19: {  	[sflag:s17] =	ssyncadd.s32 $0xFFFFE000  }
0x1a: {  	[hbm4b:s24+s4] =	stream.linear.scatter [tilespmem:s19], [sflag:$0x4], $0x2000, $0x38;
	[tilespmem:$0x16380] =	vst v63  }
0x1b: {  	_ =	swait.ge [sflag:s17], $0x2000  }
0x1c: {  	s5 =	sadd.s32 $0x1, s5;
	s25 =	rddreg [dreg:$0x9]  }
0x1d: {  	p0 =	sne.s32 s5, s25  }
.Ltmp1:
0x1e: {  	_ = 	snop;
	(pc) =	sbr.rel @!p0 .LBB2_22-.Ltmp1, $3  }
0x1f: {  	_ =	sdelay $0x1  }
0x20: {  	[sflag:s17] =	ssyncset.done $0x0  }
0x21: {  	[sflag:s17] =	ssyncadd.s32 $0xFFFFE000  }
.LBB2_1:
0x22: {  	s2 =	rddreg [dreg:$0x2];
	s10 =	simm.s32 $0x4B80  }
0x23: {  	[tilespmem:s10], [sflag:$0x4] =	stream.linear.gather [hbm4b:s2+s4], $0x400, $0x38;
	[tilespmem:$0x16380] =	vst v63  }
0x24: {  	_ =	swait.ge [sflag:s17], $0x400  }
0x25: {  	[sflag:s17] =	ssyncset.done $0x0  }
0x26: {  	s2 =	simm.s32 $0x0;
	[sflag:s17] =	ssyncadd.s32 $0xFFFFFC00  }
.LBB2_2:
0x27: {  	p0 =	sne.s32 s2, $0x9C40  }
.Ltmp2:
0x28: {  	_ = 	snop;
	(pc) =	sbr.rel @p0 .LBB2_2-.Ltmp2, $3  }
0x29: {  	_ =	sdelay $0x1  }
0x2a: {  	s10 =	sshra.s32 s2, $0x2  }
0x2b: {  	s2 =	sadd.s32 $0x40, s2;
	[tilespmem:s10+$0x2400] =	vst v0  }
0x2c: {  	s2 =	simm.s32 $0x4B80  }
0x2d: {  	s10 =	simm.s32 $0x0;
	s16 =	simm.s32 $0x1;
	v5 =	vld [tilespmem:s2+$0x0]  }
.LBB2_4:
0x2e: {  	p0 =	sne.s32 s16, $0x3FF;
	_ =	sdelay $0x3  }
.Ltmp3:
0x2f: {  	(pc) =	sbr.rel @p0 .LBB2_4-.Ltmp3, $4  }
0x30: {  	_ = 	snop  }
0x31: {  	v6 =	vmov s10;
	s10 =	smov.u32 s16  }
0x32: {  	s2 =	sadd.s32 $0x1, s2;
	[tilespmem:v5+s18+$0x0] =	vst.idx.msk $0x1, v6  }
0x33: {  	s16 =	sadd.s32 $0x1, s16;
	v5 =	vld [tilespmem:s2+$0x0]  }
0x34: {  	_ =	sdelay $0x6  }
0x35: {  	v6 =	vmov s10  }
0x36: {  	[tilespmem:v5+s18+$0x0] =	vst.idx.msk $0x1, v6  }
0x37: {  	[tilespmem:$0x16100] =	vst v1  }
0x38: {  	[tilespmem:$0x16110] =	vst v1  }
0x39: {  	[tilespmem:$0x16120] =	vst v1  }
0x3a: {  	[tilespmem:$0x16130] =	vst v1  }
0x3b: {  	s2 =	simm.s32 $0x0;
	s10 =	simm.s32 $0x200;
	[tilespmem:$0x16140] =	vst v1  }
.LBB2_6:
0x3c: {  	p0 =	sne.s32 s10, $0x8E00;
	[tilespmem:s2+$0xF070] =	vst v2  }
0x3d: {  	[tilespmem:s2+$0xF000] =	vst v2  }
0x3e: {  	[tilespmem:s2+$0xF010] =	vst v2  }
.Ltmp4:
0x3f: {  	[tilespmem:s2+$0xF020] =	vst v2;
	(pc) =	sbr.rel @p0 .LBB2_6-.Ltmp4, $4  }
0x40: {  	[tilespmem:s2+$0xF030] =	vst v2  }
0x41: {  	[tilespmem:s2+$0xF040] =	vst v2  }
0x42: {  	[tilespmem:s2+$0xF050] =	vst v2  }
0x43: {  	[tilespmem:s2+$0xF060] =	vst v2;
	s2 =	sshra.s32 s10, $0x2;
	s10 =	sadd.s32 $0x200, s10  }
0x44: {  	[tilespmem:s2+$0xF070] =	vst v2  }
0x45: {  	[tilespmem:s2+$0xF000] =	vst v2  }
0x46: {  	[tilespmem:s2+$0xF010] =	vst v2  }
0x47: {  	[tilespmem:s2+$0xF020] =	vst v2  }
0x48: {  	[tilespmem:s2+$0xF030] =	vst v2  }
0x49: {  	[tilespmem:s2+$0xF040] =	vst v2  }
0x4a: {  	[tilespmem:s2+$0xF050] =	vst v2  }
0x4b: {  	[tilespmem:s2+$0xF060] =	vst v2;
	s16 =	rddreg [dreg:$0x5]  }
0x4c: {  	[spmem:s16] =	stream.linear.scatter [tilespmem:s19], [sflag:$0x4], $0x2400, $0x38;
	[tilespmem:$0x16380] =	vst v63  }
0x4d: {  	_ =	swait.ge [sflag:s17], $0x2400  }
0x4e: {  	[sflag:s17] =	ssyncset.done $0x0  }
0x4f: {  	[sflag:s17] =	ssyncadd.s32 $0xFFFFDC00  }
0x50: {  	s2 =	simm.s32 $0x0;
	s12 =	simm.s32 $0x16000;
	[bflag:$0x0] =	sbarrier.arrive $0xFFFF  }
0x51: {  	[tilespmem:s12], [sflag:$0x4] =	stream.linear.gather [hbm4b:s11+s2], $0x50, $0x38;
	[tilespmem:$0x16380] =	vst v63  }
0x52: {  	_ =	swait.ge [sflag:s17], $0x50  }
0x53: {  	[sflag:s17] =	ssyncset.done $0x0  }
0x54: {  	s10 =	rddreg [dreg:$0x6];
	[sflag:s17] =	ssyncadd.s32 $0xFFFFFFB0  }
0x55: {  	[tilespmem:s21], [sflag:$0x2] =	stream.linear.gather [hbm4b:s10+s2], $0x2800, $0x38;
	[tilespmem:$0x16380] =	vst v63  }
.Ltmp5:
0x56: {  	_ = 	snop;
	(pc) =	sbr.rel .LBB2_9-.Ltmp5, $4  }
0x57: {  	s20 =	simm.s32 $0x50  }
0x58: {  	[tilespmem:s23], [sflag:$0x3] =	stream.indirect.gather [hbm4b:s1+s20], $0x80, s12, s20, $0xb8;
	[tilespmem:$0x16380] =	vst v63  }
0x59: {  	s25 =	simm.s32 $0x16050;
	s22 =	rddreg [dreg:$0x7]  }
0x5a: {  	[tilespmem:s25], [sflag:$0x1] =	stream.linear.gather [hbm4b:s22+s2], $0x50, $0x38;
	[tilespmem:$0x16380] =	vst v63  }
.LBB2_20:
0x5b: {  	[sflag:s17] =	ssyncadd.s32 $0xFFFFE000  }
.LBB2_8:
0x5c: {  	p0 =	seq.s32 s2, $0x7D  }
.Ltmp6:
0x5d: {  	_ = 	snop;
	(pc) =	sbr.rel @p0 .LBB2_21-.Ltmp6, $1  }
0x5e: {  	_ =	sdelay $0x3  }
.LBB2_9:
0x5f: {  	_ =	swait.ge [sflag:s26], $0x2800  }
0x60: {  	[sflag:s26] =	ssyncset.done $0x0  }
0x61: {  	[sflag:s26] =	ssyncadd.s32 $0xFFFFD800  }
0x62: {  	_ =	swait.ge [sflag:s28], $0x2800  }
0x63: {  	p0 =	seq.s32 s2, $0x7C;
	[sflag:s28] =	ssyncset.done $0x0  }
0x64: {  	s10 =	smov.u32 s2;
	s20 =	simm.s32 @!p0 $0x1;
	[sflag:s28] =	ssyncadd.s32 $0xFFFFD800  }
0x65: {  	s16 =	sand.u32 $0x1, s2;
	s2 =	sadd.s32 $0x1, s2;
	_ =	swait.ge @!p0 [sflag:s20], $0x50  }
0x66: {  	s22 =	sxor.u32 @!p0 $0x1, s16;
	s25 =	smul.u32 @!p0 $0xAB, s2;
	[sflag:s20] =	ssyncset.done @!p0 $0x0  }
0x67: {  	p1 =	sgt.u32 @!p0 s10, $0x7A;
	[sflag:s20] =	ssyncadd.s32 @!p0 $0xFFFFFFB0;
	s20 =	smul.u32 @!p0 $0x50, s2  }
0x68: {  	s14 =	simm.s32 @!p0 $0x0;
	s22 =	smul.u32 @!p0 $0x2800, s22;
	p1 =	por p1, p0  }
0x69: {  	s25 =	sshrl.u32 @!p0 s25, $0x9;
	s13 =	sadd.s32 @!p1 $0x2, s10;
	s20 =	sadd.s32 @!p0 s9, s20  }
0x6a: {  	s25 =	sand.u32 @!p0 $0x7F, s25;
	s15 =	smul.u32 @!p1 $0xAB, s13;
	s20 =	sshll.u32 @!p0 s20, $0x4  }
0x6b: {  	s12 =	sadd.s32 @!p0 $0x5000, s22;
	s25 =	smul.u32 @!p0 $0x3, s25;
	s20 =	sadd.s32 @!p0 s7, s20  }
0x6c: {  	[tilespmem:s12], [sflag:$0x2] =	stream.linear.gather @!p0 [hbm4b:s20+s14], $0x2800, $0x38;
	[tilespmem:$0x16380] =	vst v63  }
0x6d: {  	s12 =	sshrl.u32 @!p1 s15, $0x9  }
0x6e: {  	s20 =	smul.u32 $0xAB, s10;
	s15 =	ssub.s32 @!p0 s2, s25;
	s12 =	sand.u32 @!p1 $0x7F, s12  }
0x6f: {  	s15 =	sand.u32 @!p0 $0xFF, s15;
	s12 =	smul.u32 @!p1 $0x3, s12  }
0x70: {  	s22 =	sadd.s32 @!p0 $0xA000, s22;
	s14 =	sshrl.u32 s20, $0x9;
	s15 =	smul.u32 @!p0 $0x140, s15  }
0x71: {  	s25 =	simm.s32 @!p0 $0x50;
	s20 =	smul.u32 $0x50, s10;
	s14 =	sand.u32 $0x7F, s14  }
0x72: {  	s12 =	ssub.s32 @!p1 s13, s12;
	s14 =	smul.u32 $0x3, s14;
	s15 =	sshrl.u32 @!p0 s15, $0x2  }
0x73: {  	s13 =	smul.u32 @!p1 $0x50, s13;
	s12 =	sand.u32 @!p1 $0xFF, s12;
	s15 =	sor.u32 @!p0 $0x16000, s15  }
0x74: {  	[tilespmem:s22], [sflag:$0x3] =	stream.indirect.gather @!p0 [hbm4b:s1+s25], $0x80, s15, s25, $0xb8;
	[tilespmem:$0x16380] =	vst v63  }
0x75: {  	s12 =	smul.u32 @!p1 $0x140, s12;
	s10 =	ssub.s32 s10, s14  }
0x76: {  	s25 =	smul.u32 $0x50, s16;
	s10 =	sand.u32 $0xFF, s10  }
0x77: {  	s13 =	sadd.s32 @!p1 s9, s13;
	s14 =	simm.s32 @!p1 $0x0;
	s10 =	smul.u32 $0x140, s10  }
0x78: {  	s16 =	sadd.s32 s9, s20;
	s22 =	simm.s32 $0x0;
	s13 =	sshrl.u32 @!p1 s13, $0x3  }
0x79: {  	s12 =	sshrl.u32 @!p1 s12, $0x2;
	s13 =	sadd.s32 @!p1 s6, s13;
	s10 =	sshrl.u32 s10, $0x2  }
0x7a: {  	v5 =	vmov s25;
	s25 =	simm.s32 $0x0;
	s12 =	sor.u32 @!p1 $0x16000, s12;
	s10 =	sadd.s32 $0x16000, s10  }
0x7b: {  	[tilespmem:s12], [sflag:$0x1] =	stream.linear.gather @!p1 [hbm4b:s13+s14], $0x50, $0x38;
	v6 =	vmov s10;
	[tilespmem:$0x16380] =	vst v63  }
.LBB2_10:
0x7c: {  	s10 =	sshll.u32 s25, $0x4;
	v8 =	vlaneseq.u32  }
0x7d: {  	v7 =	vor.u32 s10, v8  }
0x7e: {  	v9 =	vadd.s32 v5, v7  }
0x7f: {  	v18 =	vand.u32 $0xF, v8;
	v9 =	vshll.u32 v9, $0x7  }
0x80: {  	v13 =	vor.u32 v9, v18  }
0x81: {  	v10 =	vor.u32 $0x10, v9  }
0x82: {  	v14 =	vor.u32 v10, v18  }
0x83: {  	v11 =	vor.u32 $0x20, v9  }
0x84: {  	v15 =	vor.u32 v11, v18  }
0x85: {  	v12 =	vor.u32 $0x30, v9;
	v17 =	vld.idx.msk [tilespmem:v13+s21+$0x0], $0xffff  }
0x86: {  	v16 =	vor.u32 v12, v18;
	v22 =	vld.idx.msk [tilespmem:v13+s23+$0x0], $0xffff  }
0x87: {  	v13 =	vor.u32 $0x40, v9;
	v24 =	vld.idx.msk [tilespmem:v14+s21+$0x0], $0xffff  }
0x88: {  	v19 =	vor.u32 v13, v18;
	v28 =	vld.idx.msk [tilespmem:v14+s23+$0x0], $0xffff  }
0x89: {  	v14 =	vor.u32 $0x50, v9;
	v29 =	vld.idx.msk [tilespmem:v15+s21+$0x0], $0xffff  }
0x8a: {  	v30 =	vld.idx.msk [tilespmem:v15+s23+$0x0], $0xffff;
	v20 =	vor.u32 v14, v18  }
0x8b: {  	v15 =	vor.u32 $0x60, v9;
	v31 =	vld.idx.msk [tilespmem:v16+s21+$0x0], $0xffff  }
0x8c: {  	v32 =	vld.idx.msk [tilespmem:v16+s23+$0x0], $0xffff;
	v21 =	vor.u32 v15, v18  }
0x8d: {  	v16 =	vor.u32 $0x70, v9;
	v33 =	vld.idx.msk [tilespmem:v19+s21+$0x0], $0xffff  }
0x8e: {  	v18 =	vor.u32 v16, v18;
	v34 =	vld.idx.msk [tilespmem:v19+s23+$0x0], $0xffff;
	v19 =	vadd.s32 $0x1, v8  }
0x8f: {  	v35 =	vld.idx.msk [tilespmem:v20+s21+$0x0], $0xffff;
	v49 =	vand.u32 $0xF, v19  }
0x90: {  	v38 =	vld.idx.msk [tilespmem:v20+s23+$0x0], $0xffff;
	v19 =	vor.u32 v9, v49  }
0x91: {  	v39 =	vld.idx.msk [tilespmem:v21+s21+$0x0], $0xffff  }
0x92: {  	v40 =	vld.idx.msk [tilespmem:v21+s23+$0x0], $0xffff;
	v20 =	vor.u32 v10, v49  }
0x93: {  	v36 =	vld.idx.msk [tilespmem:v18+s21+$0x0], $0xffff  }
0x94: {  	v37 =	vld.idx.msk [tilespmem:v18+s23+$0x0], $0xffff;
	v18 =	vor.u32 v11, v49  }
0x95: {  	v41 =	vld.idx.msk [tilespmem:v19+s21+$0x0], $0xffff  }
0x96: {  	v42 =	vld.idx.msk [tilespmem:v19+s23+$0x0], $0xffff;
	v19 =	vor.u32 v12, v49  }
0x97: {  	v44 =	vld.idx.msk [tilespmem:v20+s21+$0x0], $0xffff  }
0x98: {  	v52 =	vor.u32 v13, v49;
	v47 =	vld.idx.msk [tilespmem:v20+s23+$0x0], $0xffff  }
0x99: {  	v23 =	vimm.f32 $0.0e+00;
	v43 =	vld.idx.msk [tilespmem:v18+s21+$0x0], $0xffff  }
0x9a: {  	v27 =	vimm.f32 $0.0e+00;
	v25 =	vimm.f32 $0.0e+00;
	v51 =	vor.u32 v14, v49;
	v46 =	vld.idx.msk [tilespmem:v18+s23+$0x0], $0xffff  }
0x9b: {  	v26 =	vimm.f32 $0.0e+00;
	v21 =	vimm.f32 $0.0e+00;
	v50 =	vor.u32 v15, v49;
	v45 =	vld.idx.msk [tilespmem:v19+s21+$0x0], $0xffff  }
0x9c: {  	s20 =	simm.s32 $0x7;
	v18 =	vimm.f32 $0.0e+00;
	v20 =	vimm.f32 $0.0e+00;
	v48 =	vld.idx.msk [tilespmem:v19+s23+$0x0], $0xffff;
	v19 =	vimm.f32 $0.0e+00  }
.LBB2_11:
0x9d: {  	p0 =	sne.s32 s20, $0x1;
	v53 =	vld.idx.msk [tilespmem:v52+s21+$0x0], $0xffff;
	v8 =	vadd.s32 $0x2, v8  }
0x9e: {  	v49 =	vor.u32 v16, v49;
	v54 =	vand.u32 $0xF, v8;
	v52 =	vld.idx.msk [tilespmem:v52+s23+$0x0], $0xffff  }
0x9f: {  	v55 =	vor.u32 v9, v54;
	v56 =	vld.idx.msk [tilespmem:v51+s21+$0x0], $0xffff  }
0xa0: {  	v22 =	vmul.f32 v22, v17;
	v24 =	vmul.f32 v28, v24;
	v57 =	vor.u32 v10, v54;
	v51 =	vld.idx.msk [tilespmem:v51+s23+$0x0], $0xffff  }
0xa1: {  	v28 =	vmul.f32 v30, v29;
	v29 =	vmul.f32 v32, v31;
	v58 =	vor.u32 v11, v54;
	v30 =	vld.idx.msk [tilespmem:v50+s21+$0x0], $0xffff  }
0xa2: {  	v31 =	vmul.f32 v34, v33;
	v33 =	vmul.f32 v38, v35;
	v32 =	vor.u32 v12, v54;
	v34 =	vld.idx.msk [tilespmem:v50+s23+$0x0], $0xffff  }
0xa3: {  	v38 =	vmul.f32 v40, v39;
	v36 =	vmul.f32 v37, v36;
	v35 =	vor.u32 v13, v54;
	v37 =	vld.idx.msk [tilespmem:v49+s21+$0x0], $0xffff  }
0xa4: {  	v40 =	vmul.f32 v42, v41;
	v41 =	vmul.f32 v47, v44;
	v39 =	vor.u32 v14, v54;
	v42 =	vld.idx.msk [tilespmem:v49+s23+$0x0], $0xffff  }
0xa5: {  	v23 =	vadd.f32 v22, v23;
	v27 =	vadd.f32 v24, v27;
	v43 =	vmul.f32 v46, v43;
	v17 =	vld.idx.msk [tilespmem:v55+s21+$0x0], $0xffff  }
0xa6: {  	v25 =	vadd.f32 v28, v25;
	v26 =	vadd.f32 v29, v26;
	v29 =	vmul.f32 v48, v45;
	v22 =	vld.idx.msk [tilespmem:v55+s23+$0x0], $0xffff  }
0xa7: {  	v23 =	vadd.f32 v40, v23;
	v27 =	vadd.f32 v41, v27;
	v40 =	vmul.f32 v52, v53;
	v24 =	vld.idx.msk [tilespmem:v57+s21+$0x0], $0xffff  }
0xa8: {  	v25 =	vadd.f32 v43, v25;
	v26 =	vadd.f32 v29, v26;
	v41 =	vmul.f32 v51, v56;
	v28 =	vld.idx.msk [tilespmem:v57+s23+$0x0], $0xffff  }
0xa9: {  	v18 =	vadd.f32 v31, v18;
	v21 =	vadd.f32 v33, v21;
	v33 =	vmul.f32 v34, v30;
	v29 =	vld.idx.msk [tilespmem:v58+s21+$0x0], $0xffff  }
0xaa: {  	v20 =	vadd.f32 v38, v20;
	v19 =	vadd.f32 v36, v19;
	v34 =	vmul.f32 v42, v37;
	v30 =	vld.idx.msk [tilespmem:v58+s23+$0x0], $0xffff  }
0xab: {  	v18 =	vadd.f32 v40, v18;
	v21 =	vadd.f32 v41, v21;
	v31 =	vld.idx.msk [tilespmem:v32+s21+$0x0], $0xffff  }
0xac: {  	v36 =	vor.u32 v15, v54;
	v20 =	vadd.f32 v33, v20;
	v19 =	vadd.f32 v34, v19;
	v32 =	vld.idx.msk [tilespmem:v32+s23+$0x0], $0xffff  }
0xad: {  	v33 =	vld.idx.msk [tilespmem:v35+s21+$0x0], $0xffff  }
0xae: {  	v38 =	vadd.s32 $0x1, v8;
	v37 =	vor.u32 v16, v54;
	v34 =	vld.idx.msk [tilespmem:v35+s23+$0x0], $0xffff  }
0xaf: {  	v49 =	vand.u32 $0xF, v38;
	v35 =	vld.idx.msk [tilespmem:v39+s21+$0x0], $0xffff  }
0xb0: {  	v42 =	vor.u32 v9, v49;
	v38 =	vld.idx.msk [tilespmem:v39+s23+$0x0], $0xffff  }
0xb1: {  	v39 =	vld.idx.msk [tilespmem:v36+s21+$0x0], $0xffff  }
0xb2: {  	v43 =	vor.u32 v10, v49;
	v40 =	vld.idx.msk [tilespmem:v36+s23+$0x0], $0xffff  }
0xb3: {  	v36 =	vld.idx.msk [tilespmem:v37+s21+$0x0], $0xffff  }
0xb4: {  	v45 =	vor.u32 v11, v49;
	v37 =	vld.idx.msk [tilespmem:v37+s23+$0x0], $0xffff  }
0xb5: {  	v41 =	vld.idx.msk [tilespmem:v42+s21+$0x0], $0xffff  }
0xb6: {  	v48 =	vor.u32 v12, v49;
	v42 =	vld.idx.msk [tilespmem:v42+s23+$0x0], $0xffff  }
0xb7: {  	v44 =	vld.idx.msk [tilespmem:v43+s21+$0x0], $0xffff  }
.Ltmp7:
0xb8: {  	v52 =	vor.u32 v13, v49;
	v47 =	vld.idx.msk [tilespmem:v43+s23+$0x0], $0xffff;
	(pc) =	sbr.rel @p0 .LBB2_11-.Ltmp7, $4  }
0xb9: {  	v43 =	vld.idx.msk [tilespmem:v45+s21+$0x0], $0xffff  }
0xba: {  	v51 =	vor.u32 v14, v49;
	v46 =	vld.idx.msk [tilespmem:v45+s23+$0x0], $0xffff  }
0xbb: {  	v45 =	vld.idx.msk [tilespmem:v48+s21+$0x0], $0xffff  }
0xbc: {  	s20 =	sadd.s32 $0xFFFFFFFF, s20;
	v50 =	vor.u32 v15, v49;
	v48 =	vld.idx.msk [tilespmem:v48+s23+$0x0], $0xffff  }
0xbd: {  	_ =	sdelay $0x3  }
0xbe: {  	v8 =	vld.idx.msk [tilespmem:v52+s21+$0x0], $0xffff  }
0xbf: {  	v9 =	vld.idx.msk [tilespmem:v52+s23+$0x0], $0xffff;
	v11 =	vmul.f32 v22, v17;
	v13 =	vmul.f32 v28, v24  }
0xc0: {  	v10 =	vor.u32 v16, v49;
	v12 =	vld.idx.msk [tilespmem:v51+s21+$0x0], $0xffff;
	v14 =	vmul.f32 v30, v29;
	v52 =	vmul.f32 v32, v31  }
0xc1: {  	v15 =	vld.idx.msk [tilespmem:v51+s23+$0x0], $0xffff;
	v53 =	vmul.f32 v34, v33;
	v55 =	vmul.f32 v38, v35  }
0xc2: {  	v54 =	vld.idx.msk [tilespmem:v50+s21+$0x0], $0xffff;
	v56 =	vmul.f32 v40, v39;
	v58 =	vmul.f32 v42, v41;
	v11 =	vadd.f32 v11, v23  }
0xc3: {  	v57 =	vld.idx.msk [tilespmem:v50+s23+$0x0], $0xffff;
	v59 =	vmul.f32 v47, v44;
	v13 =	vadd.f32 v13, v27;
	v14 =	vadd.f32 v14, v25  }
0xc4: {  	v63 =	vmul.f32 v37, v36;
	v16 =	vadd.f32 v52, v26;
	v27 =	vadd.f32 v53, v18  }
0xc5: {  	v61 =	vmul.f32 v46, v43;
	v30 =	vadd.f32 v55, v21;
	v33 =	vadd.f32 v56, v20;
	v60 =	vld.idx.msk [tilespmem:v10+s21+$0x0], $0xffff  }
0xc6: {  	v62 =	vmul.f32 v48, v45;
	v11 =	vadd.f32 v58, v11;
	v13 =	vadd.f32 v59, v13;
	v10 =	vld.idx.msk [tilespmem:v10+s23+$0x0], $0xffff  }
0xc7: {  	v23 =	vadd.f32 v61, v14;
	v8 =	vmul.f32 v9, v8;
	v12 =	vmul.f32 v15, v12  }
0xc8: {  	v31 =	vmul.f32 v57, v54;
	v25 =	vadd.f32 v62, v16;
	v11 =	vmul.f32 $1.442695020e+00, v11  }
0xc9: {  	v19 =	vadd.f32 v63, v19;
	v13 =	vmul.f32 $1.442695020e+00, v13;
	v9 =	vmul.f32 $1.442695020e+00, v23  }
0xca: {  	v8 =	vadd.f32 v8, v27;
	(erf) = vpow2.f32 v11;
	v35 =	vmul.f32 $1.442695020e+00, v25  }
0xcb: {  	v34 =	vadd.f32 v12, v30;
	(erf) = vpow2.f32 v13;
	v10 =	vmul.f32 v10, v60  }
0xcc: {  	v36 =	vadd.f32 v31, v33;
	v8 =	vmul.f32 $1.442695020e+00, v8;
	(erf) = vpow2.f32 v9  }
0xcd: {  	v38 =	vmul.f32 $1.442695020e+00, v34;
	(erf) = vpow2.f32 v35;
	v37 =	vadd.f32 v10, v19  }
0xce: {  	(erf) = vpow2.f32 v8;
	v8 =	vmul.f32 $1.442695020e+00, v36  }
0xcf: {  	(erf) = vpow2.f32 v38;
	v9 =	vmul.f32 $1.442695020e+00, v37  }
0xd0: {  	(erf) = vpow2.f32 v8  }
0xd1: {  	(erf) = vpow2.f32 v9;
	_ =	sdelay $0x1  }
0xd2: {  	v8 =	vpop (erf)  }
0xd3: {  	v39 =	vpop (erf)  }
0xd4: {  	v40 =	vpop (erf)  }
0xd5: {  	v41 =	vpop (erf)  }
0xd6: {  	v42 =	vpop (erf)  }
0xd7: {  	v43 =	vpop (erf)  }
0xd8: {  	v44 =	vpop (erf)  }
0xd9: {  	v46 =	vadd.f32 v39, v8;
	v47 =	vadd.f32 v41, v40;
	v45 =	vpop (erf)  }
0xda: {  	v48 =	vadd.f32 v43, v42;
	v49 =	vadd.f32 v45, v44;
	_ =	sdelay $0x1  }
0xdb: {  	v16 =	vadd.f32 v47, v46;
	v50 =	vadd.f32 v49, v48;
	_ =	sdelay $0x1  }
0xdc: {  	v16 =	vadd.f32 v50, v16;
	_ =	sdelay $0x1  }
0xdd: {  	(erf) = vrcp.f32 v16;
	_ =	sdelay $0x6  }
0xde: {  	v51 =	vshll.u32 v7, $0x7  }
0xdf: {  	v52 =	vor.u32 $0x1, v51  }
0xe0: {  	v54 =	vor.u32 $0x2, v51;
	v53 =	vpop (erf)  }
0xe1: {  	v55 =	vor.u32 $0x3, v51;
	v8 =	vmul.f32 v53, v8  }
0xe2: {  	v56 =	vor.u32 $0x4, v51;
	v9 =	vmul.f32 v53, v39  }
0xe3: {  	v10 =	vmul.f32 v53, v40;
	[tilespmem:v51+s29+$0x0] =	vst.idx.msk $0xffff, v8;
	v8 =	vor.u32 $0x5, v51  }
0xe4: {  	v57 =	vor.u32 $0x6, v51;
	v11 =	vmul.f32 v53, v41;
	[tilespmem:v52+s29+$0x0] =	vst.idx.msk $0xffff, v9  }
0xe5: {  	v58 =	vor.u32 $0x7, v51;
	v12 =	vmul.f32 v53, v42;
	[tilespmem:v54+s29+$0x0] =	vst.idx.msk $0xffff, v10  }
0xe6: {  	v13 =	vmul.f32 v53, v43;
	[tilespmem:v55+s29+$0x0] =	vst.idx.msk $0xffff, v11  }
0xe7: {  	v59 =	vmul.f32 v53, v44;
	[tilespmem:v56+s29+$0x0] =	vst.idx.msk $0xffff, v12  }
0xe8: {  	v60 =	vmul.f32 v53, v45;
	[tilespmem:v8+s29+$0x0] =	vst.idx.msk $0xffff, v13  }
0xe9: {  	[tilespmem:v57+s29+$0x0] =	vst.idx.msk $0xffff, v59  }
0xea: {  	[tilespmem:v58+s29+$0x0] =	vst.idx.msk $0xffff, v60  }
0xeb: {  	v8 =	vld.idx.msk [tilespmem:v6+s10+$0x0 ss:$0x1], $0xffff;
	_ =	sdelay $0x7  }
0xec: {  	v8 =	vld.idx.msk [tilespmem:v8+s18+$0x0], $0xffff;
	_ =	sdelay $0x4  }
0xed: {  	vm0 =	vgt.s32 v8, $0xFFFFFFFF  }
0xee: {  	v61 =	vsel vm0, $0x1, v1  }
0xef: {  	(xrf0) =	vadd.scan.msk.s32 $0xffff, v61;
	_ =	sdelay $0x5  }
0xf0: {  	v9, _, _ =	vpop (xrf0)  }
0xf1: {  	(v2sf) =	vpush v9, $0xF;
	_ =	sdelay $0x5  }
0xf2: {  	v62 =	vsel vm0, $0xFFFFFFFF, v1  }
0xf3: {  	v10 =	vadd.s32 s22, v62  }
0xf4: {  	v9 =	vadd.s32 v9, v10  }
0xf5: {  	v10 =	vshll.u32 v9, $0x1  }
0xf6: {  	s25 =	sadd.s32 $0x1, s25;
	v63 =	vand.u32 $0x3F, v9;
	v10 =	vand.u32 $0xFFFFFF80, v10  }
0xf7: {  	p0 =	sne.s32 s25, $0x5;
	v10 =	vor.u32 v63, v10  }
.Ltmp8:
0xf8: {  	_ = 	snop;
	(pc) =	sbr.rel @p0 .LBB2_10-.Ltmp8, $3  }
0xf9: {  	_ =	sdelay $0x1  }
0xfa: {  	[tilespmem:v9+s30+$0x0] =	vst.idx.msk vm0, v7;
	s20 =	spop (v2sf)  }
0xfb: {  	[tilespmem:v10+s31+$0x0] =	vst.idx.msk vm0, v8;
	s22 =	sadd.s32 s22, s20  }
0xfc: {  	v6 =	vadd.s32 s22, v3;
	s10 =	sadd.s32 $0x10, s22  }
0xfd: {  	s15 =	sadd.s32 $0x20, s22;
	s20 =	sadd.s32 $0x30, s22;
	v7 =	vshll.u32 v6, $0x1;
	v6 =	vand.u32 $0x3F, v6;
	v8 =	vadd.s32 s10, v3  }
0xfe: {  	v9 =	vadd.s32 s15, v3;
	v10 =	vadd.s32 s20, v3;
	v7 =	vand.u32 $0xFFFFFF80, v7  }
0xff: {  	v61 =	vshll.u32 v9, $0x1;
	v6 =	vor.u32 v6, v7;
	v7 =	vshll.u32 v8, $0x1  }
0x100: {  	v9 =	vand.u32 $0x3F, v9;
	v8 =	vand.u32 $0x3F, v8;
	v7 =	vand.u32 $0xFFFFFF80, v7  }
0x101: {  	s25 =	sadd.s32 $0xF, s22;
	v11 =	vshll.u32 v10, $0x1;
	v7 =	vor.u32 v8, v7;
	v8 =	vand.u32 $0xFFFFFF80, v61  }
0x102: {  	s10 =	sshra.s32 s25, $0x4;
	v62 =	vand.u32 $0x3F, v10;
	v63 =	vand.u32 $0xFFFFFF80, v11;
	v8 =	vor.u32 v9, v8  }
0x103: {  	p0 =	slt.s32 s10, $0x1;
	v9 =	vor.u32 v62, v63  }
.Ltmp9:
0x104: {  	_ = 	snop;
	(pc) =	sbr.rel @p0 .LBB2_17-.Ltmp9, $4  }
0x105: {  	[tilespmem:v6+s31+$0x0] =	vst.idx.msk $0xffff, v4  }
0x106: {  	[tilespmem:v7+s31+$0x0] =	vst.idx.msk $0xffff, v4  }
0x107: {  	[tilespmem:v8+s31+$0x0] =	vst.idx.msk $0xffff, v4  }
0x108: {  	s25 =	simm.s32 $0x0;
	[tilespmem:v9+s31+$0x0] =	vst.idx.msk $0xffff, v4  }
.LBB2_14:
0x109: {  	s12 =	sshll.u32 s25, $0x4;
	v29 =	vlaneseq.u32  }
0x10a: {  	v6 =	vor.u32 s12, v29;
	_ =	sdelay $0x4  }
0x10b: {  	v7 =	vld.idx.msk [tilespmem:v6+s30+$0x0], $0xffff;
	_ =	sdelay $0x4  }
0x10c: {  	v8 =	vadd.s32 v5, v7;
	v7 =	vshll.u32 v7, $0x7  }
0x10d: {  	v32 =	vand.u32 $0xF, v29;
	v9 =	vor.u32 $0x1, v7;
	v14 =	vshll.u32 v8, $0x7  }
0x10e: {  	v8 =	vor.u32 v14, v32  }
0x10f: {  	v10 =	vor.u32 $0x2, v7  }
0x110: {  	v16 =	vor.u32 $0x3, v7  }
0x111: {  	v17 =	vor.u32 $0x4, v7;
	v13 =	vld.idx.msk [tilespmem:v7+s29+$0x0], $0xffff  }
0x112: {  	v12 =	vld.idx.msk [tilespmem:v9+s29+$0x0], $0xffff  }
0x113: {  	v18 =	vor.u32 $0x5, v7;
	v20 =	vld.idx.msk [tilespmem:v8+s21+$0x0], $0xffff  }
0x114: {  	v15 =	vshll.u32 v6, $0x7;
	v19 =	vor.u32 $0x6, v7;
	v11 =	vld.idx.msk [tilespmem:v10+s29+$0x0], $0xffff  }
0x115: {  	v22 =	vor.u32 v15, v32;
	v21 =	vor.u32 $0x7, v7;
	v10 =	vld.idx.msk [tilespmem:v16+s29+$0x0], $0xffff;
	v16 =	vor.u32 $0x10, v14  }
0x116: {  	v9 =	vld.idx.msk [tilespmem:v17+s29+$0x0], $0xffff;
	v17 =	vor.u32 v16, v32;
	_ =	sdelay $0x1  }
0x117: {  	v8 =	vld.idx.msk [tilespmem:v18+s29+$0x0], $0xffff;
	v18 =	vmul.f32 v20, v13  }
0x118: {  	v7 =	vld.idx.msk [tilespmem:v19+s29+$0x0], $0xffff  }
0x119: {  	v6 =	vld.idx.msk [tilespmem:v21+s29+$0x0], $0xffff;
	[tilespmem:v22+s19+$0x0] =	vst.idx.msk $0xffff, v18  }
0x11a: {  	v19 =	vld.idx.msk [tilespmem:v17+s21+$0x0], $0xffff  }
0x11b: {  	v18 =	vor.u32 $0x10, v15  }
0x11c: {  	v17 =	vor.u32 $0x20, v14;
	v20 =	vor.u32 v18, v32  }
0x11d: {  	v21 =	vor.u32 v17, v32;
	_ =	sdelay $0x1  }
0x11e: {  	v19 =	vmul.f32 v19, v12;
	_ =	sdelay $0x1  }
0x11f: {  	[tilespmem:v20+s19+$0x0] =	vst.idx.msk $0xffff, v19  }
0x120: {  	v21 =	vld.idx.msk [tilespmem:v21+s21+$0x0], $0xffff  }
0x121: {  	v20 =	vor.u32 $0x20, v15  }
0x122: {  	v19 =	vor.u32 $0x30, v14;
	v22 =	vor.u32 v20, v32  }
0x123: {  	v23 =	vor.u32 v19, v32;
	_ =	sdelay $0x1  }
0x124: {  	v21 =	vmul.f32 v21, v11;
	_ =	sdelay $0x1  }
0x125: {  	[tilespmem:v22+s19+$0x0] =	vst.idx.msk $0xffff, v21  }
0x126: {  	v23 =	vld.idx.msk [tilespmem:v23+s21+$0x0], $0xffff  }
0x127: {  	v22 =	vor.u32 $0x30, v15  }
0x128: {  	v21 =	vor.u32 $0x40, v14;
	v24 =	vor.u32 v22, v32  }
0x129: {  	v25 =	vor.u32 v21, v32;
	_ =	sdelay $0x1  }
0x12a: {  	v23 =	vmul.f32 v23, v10;
	_ =	sdelay $0x1  }
0x12b: {  	[tilespmem:v24+s19+$0x0] =	vst.idx.msk $0xffff, v23  }
0x12c: {  	v25 =	vld.idx.msk [tilespmem:v25+s21+$0x0], $0xffff  }
0x12d: {  	v24 =	vor.u32 $0x40, v15  }
0x12e: {  	v23 =	vor.u32 $0x50, v14;
	v26 =	vor.u32 v24, v32  }
0x12f: {  	v27 =	vor.u32 v23, v32;
	_ =	sdelay $0x1  }
0x130: {  	v25 =	vmul.f32 v25, v9;
	_ =	sdelay $0x1  }
0x131: {  	[tilespmem:v26+s19+$0x0] =	vst.idx.msk $0xffff, v25  }
0x132: {  	v27 =	vld.idx.msk [tilespmem:v27+s21+$0x0], $0xffff  }
0x133: {  	v26 =	vor.u32 $0x50, v15  }
0x134: {  	v25 =	vor.u32 $0x60, v14;
	v28 =	vor.u32 v26, v32  }
0x135: {  	v30 =	vor.u32 v25, v32;
	_ =	sdelay $0x1  }
0x136: {  	v27 =	vmul.f32 v27, v8;
	_ =	sdelay $0x1  }
0x137: {  	[tilespmem:v28+s19+$0x0] =	vst.idx.msk $0xffff, v27  }
0x138: {  	v30 =	vld.idx.msk [tilespmem:v30+s21+$0x0], $0xffff  }
0x139: {  	v28 =	vor.u32 $0x60, v15  }
0x13a: {  	v27 =	vor.u32 $0x70, v14;
	v31 =	vor.u32 v28, v32  }
0x13b: {  	v33 =	vor.u32 v27, v32;
	_ =	sdelay $0x1  }
0x13c: {  	v30 =	vmul.f32 v30, v7;
	_ =	sdelay $0x1  }
0x13d: {  	[tilespmem:v31+s19+$0x0] =	vst.idx.msk $0xffff, v30  }
0x13e: {  	v34 =	vld.idx.msk [tilespmem:v33+s21+$0x0], $0xffff  }
0x13f: {  	v31 =	vadd.s32 $0x1, v29;
	v29 =	vor.u32 $0x70, v15  }
0x140: {  	v30 =	vand.u32 $0xF, v31;
	v32 =	vor.u32 v29, v32  }
0x141: {  	v33 =	vor.u32 v14, v30;
	_ =	sdelay $0x1  }
0x142: {  	s20 =	simm.s32 $0xE;
	v34 =	vmul.f32 v34, v6  }
.LBB2_15:
0x143: {  	_ = 	snop  }
0x144: {  	p0 =	sne.s32 s20, $0x1;
	s20 =	sadd.s32 $0xFFFFFFFF, s20;
	[tilespmem:v32+s19+$0x0] =	vst.idx.msk $0xffff, v34  }
0x145: {  	v32 =	vld.idx.msk [tilespmem:v33+s21+$0x0], $0xffff;
	_ =	sdelay $0x2  }
0x146: {  	v33 =	vor.u32 v15, v30  }
0x147: {  	v34 =	vor.u32 v16, v30;
	_ =	sdelay $0x1  }
0x148: {  	v32 =	vmul.f32 v32, v13;
	_ =	sdelay $0x1  }
0x149: {  	[tilespmem:v33+s19+$0x0] =	vst.idx.msk $0xffff, v32  }
0x14a: {  	v32 =	vld.idx.msk [tilespmem:v34+s21+$0x0], $0xffff;
	_ =	sdelay $0x2  }
0x14b: {  	v33 =	vor.u32 v18, v30  }
0x14c: {  	v34 =	vor.u32 v17, v30;
	_ =	sdelay $0x1  }
0x14d: {  	v32 =	vmul.f32 v32, v12;
	_ =	sdelay $0x1  }
0x14e: {  	[tilespmem:v33+s19+$0x0] =	vst.idx.msk $0xffff, v32  }
0x14f: {  	v32 =	vld.idx.msk [tilespmem:v34+s21+$0x0], $0xffff;
	_ =	sdelay $0x2  }
0x150: {  	v33 =	vor.u32 v20, v30  }
0x151: {  	v34 =	vor.u32 v19, v30;
	_ =	sdelay $0x1  }
0x152: {  	v32 =	vmul.f32 v32, v11;
	_ =	sdelay $0x1  }
0x153: {  	[tilespmem:v33+s19+$0x0] =	vst.idx.msk $0xffff, v32  }
0x154: {  	v32 =	vld.idx.msk [tilespmem:v34+s21+$0x0], $0xffff;
	_ =	sdelay $0x2  }
0x155: {  	v33 =	vor.u32 v22, v30  }
0x156: {  	v34 =	vor.u32 v21, v30;
	_ =	sdelay $0x1  }
0x157: {  	v32 =	vmul.f32 v32, v10;
	_ =	sdelay $0x1  }
0x158: {  	[tilespmem:v33+s19+$0x0] =	vst.idx.msk $0xffff, v32  }
0x159: {  	v32 =	vld.idx.msk [tilespmem:v34+s21+$0x0], $0xffff;
	_ =	sdelay $0x2  }
0x15a: {  	v33 =	vor.u32 v24, v30  }
0x15b: {  	v34 =	vor.u32 v23, v30;
	_ =	sdelay $0x1  }
0x15c: {  	v32 =	vmul.f32 v32, v9;
	_ =	sdelay $0x1  }
0x15d: {  	[tilespmem:v33+s19+$0x0] =	vst.idx.msk $0xffff, v32  }
0x15e: {  	v32 =	vld.idx.msk [tilespmem:v34+s21+$0x0], $0xffff;
	_ =	sdelay $0x2  }
0x15f: {  	v33 =	vor.u32 v26, v30  }
0x160: {  	v34 =	vor.u32 v25, v30;
	_ =	sdelay $0x1  }
0x161: {  	v32 =	vmul.f32 v32, v8;
	_ =	sdelay $0x1  }
0x162: {  	[tilespmem:v33+s19+$0x0] =	vst.idx.msk $0xffff, v32  }
0x163: {  	v32 =	vld.idx.msk [tilespmem:v34+s21+$0x0], $0xffff;
	_ =	sdelay $0x2  }
0x164: {  	v33 =	vor.u32 v28, v30  }
0x165: {  	v34 =	vor.u32 v27, v30;
	_ =	sdelay $0x1  }
0x166: {  	v32 =	vmul.f32 v32, v7;
	_ =	sdelay $0x1  }
0x167: {  	[tilespmem:v33+s19+$0x0] =	vst.idx.msk $0xffff, v32  }
0x168: {  	v34 =	vld.idx.msk [tilespmem:v34+s21+$0x0], $0xffff;
	_ =	sdelay $0x1  }
.Ltmp10:
0x169: {  	v31 =	vadd.s32 $0x1, v31;
	(pc) =	sbr.rel @p0 .LBB2_15-.Ltmp10, $3  }
0x16a: {  	v32 =	vor.u32 v29, v30;
	v30 =	vand.u32 $0xF, v31  }
0x16b: {  	v33 =	vor.u32 v14, v30;
	_ =	sdelay $0x1  }
0x16c: {  	v34 =	vmul.f32 v34, v6  }
0x16d: {  	_ =	sdelay $0x3  }
0x16e: {  	[tilespmem:v32+s19+$0x0] =	vst.idx.msk $0xffff, v34  }
0x16f: {  	v14 =	vld.idx.msk [tilespmem:v33+s21+$0x0], $0xffff;
	_ =	sdelay $0x1  }
0x170: {  	v15 =	vor.u32 v15, v30  }
0x171: {  	v16 =	vor.u32 v16, v30;
	_ =	sdelay $0x1  }
0x172: {  	v13 =	vmul.f32 v14, v13;
	_ =	sdelay $0x1  }
0x173: {  	[tilespmem:v15+s19+$0x0] =	vst.idx.msk $0xffff, v13  }
0x174: {  	v13 =	vld.idx.msk [tilespmem:v16+s21+$0x0], $0xffff;
	_ =	sdelay $0x1  }
0x175: {  	v51 =	vor.u32 v18, v30  }
0x176: {  	v52 =	vor.u32 v17, v30;
	_ =	sdelay $0x1  }
0x177: {  	v12 =	vmul.f32 v13, v12;
	_ =	sdelay $0x1  }
0x178: {  	[tilespmem:v51+s19+$0x0] =	vst.idx.msk $0xffff, v12  }
0x179: {  	v12 =	vld.idx.msk [tilespmem:v52+s21+$0x0], $0xffff;
	_ =	sdelay $0x1  }
0x17a: {  	v53 =	vor.u32 v20, v30  }
0x17b: {  	v54 =	vor.u32 v19, v30;
	_ =	sdelay $0x1  }
0x17c: {  	v11 =	vmul.f32 v12, v11;
	_ =	sdelay $0x1  }
0x17d: {  	[tilespmem:v53+s19+$0x0] =	vst.idx.msk $0xffff, v11  }
0x17e: {  	v11 =	vld.idx.msk [tilespmem:v54+s21+$0x0], $0xffff;
	_ =	sdelay $0x1  }
0x17f: {  	v55 =	vor.u32 v22, v30  }
0x180: {  	v56 =	vor.u32 v21, v30;
	_ =	sdelay $0x1  }
0x181: {  	v10 =	vmul.f32 v11, v10;
	_ =	sdelay $0x1  }
0x182: {  	[tilespmem:v55+s19+$0x0] =	vst.idx.msk $0xffff, v10  }
0x183: {  	v10 =	vld.idx.msk [tilespmem:v56+s21+$0x0], $0xffff;
	_ =	sdelay $0x1  }
0x184: {  	v57 =	vor.u32 v24, v30  }
0x185: {  	v58 =	vor.u32 v23, v30;
	_ =	sdelay $0x1  }
0x186: {  	v9 =	vmul.f32 v10, v9;
	_ =	sdelay $0x1  }
0x187: {  	[tilespmem:v57+s19+$0x0] =	vst.idx.msk $0xffff, v9  }
0x188: {  	v9 =	vld.idx.msk [tilespmem:v58+s21+$0x0], $0xffff;
	_ =	sdelay $0x1  }
0x189: {  	v59 =	vor.u32 v26, v30  }
0x18a: {  	v60 =	vor.u32 v25, v30;
	_ =	sdelay $0x1  }
0x18b: {  	v8 =	vmul.f32 v9, v8;
	_ =	sdelay $0x1  }
0x18c: {  	[tilespmem:v59+s19+$0x0] =	vst.idx.msk $0xffff, v8  }
0x18d: {  	v8 =	vld.idx.msk [tilespmem:v60+s21+$0x0], $0xffff;
	_ =	sdelay $0x1  }
0x18e: {  	v61 =	vor.u32 v28, v30  }
0x18f: {  	v62 =	vor.u32 v27, v30;
	_ =	sdelay $0x1  }
0x190: {  	v7 =	vmul.f32 v8, v7;
	_ =	sdelay $0x1  }
0x191: {  	[tilespmem:v61+s19+$0x0] =	vst.idx.msk $0xffff, v7  }
0x192: {  	v7 =	vld.idx.msk [tilespmem:v62+s21+$0x0], $0xffff  }
0x193: {  	s25 =	sadd.s32 $0x1, s25  }
0x194: {  	v63 =	vor.u32 v29, v30;
	p0 =	sne.s32 s25, s10  }
.Ltmp11:
0x195: {  	_ = 	snop;
	(pc) =	sbr.rel @p0 .LBB2_14-.Ltmp11, $3  }
0x196: {  	_ = 	snop  }
0x197: {  	v6 =	vmul.f32 v7, v6;
	_ =	sdelay $0x1  }
0x198: {  	[tilespmem:v63+s19+$0x0] =	vst.idx.msk $0xffff, v6  }
.LBB2_17:
0x199: {  	s25 =	sadd.s32 $0x3F, s22  }
0x19a: {  	s20 =	sshra.s32 s25, $0x6  }
0x19b: {  	s10 =	sshll.u32 s16, $0x4;
	p0 =	slt.s32 s20, $0x1  }
.Ltmp12:
0x19c: {  	s10 =	sadd.s32 s8, s10;
	(pc) =	sbr.rel @p0 .LBB2_8-.Ltmp12, $4  }
0x19d: {  	[hbm4b:s10+s4] =	stream.linear.scatter [tilespmem:s29], [sflag:$0x4], $0x2800, $0x38;
	[tilespmem:$0x16380] =	vst v63  }
0x19e: {  	_ =	swait.ge [sflag:s17], $0x2800  }
0x19f: {  	[sflag:s17] =	ssyncset.done $0x0  }
0x1a0: {  	[sflag:s17] =	ssyncadd.s32 $0xFFFFD800  }
0x1a1: {  	p0 =	seq.s32 s20, $0x1  }
.Ltmp13:
0x1a2: {  	_ = 	snop;
	(pc) =	sbr.rel @p0 .LBB2_20-.Ltmp13, $4  }
0x1a3: {  	s10 =	simm.s32 $0x16180;
	s16 =	simm.s32 $0xF000  }
0x1a4: {  	[spmem:s3] =	stream.indirect.scatter.add.f32 [tilespmem:s16], [sflag:$0x4], $0x80, s10, s0, $0xb8;
	[tilespmem:$0x16380] =	vst v63  }
0x1a5: {  	_ =	swait.ge [sflag:s17], $0x2000  }
0x1a6: {  	s20 =	sadd.s32 $0xFFFFFFFF, s20;
	[sflag:s17] =	ssyncset.done $0x0  }
.LBB2_19:
0x1a7: {  	[sflag:s17] =	ssyncadd.s32 $0xFFFFE000  }
0x1a8: {  	s10 =	sadd.s32 $0x80, s10;
	s16 =	sadd.s32 $0x2000, s16;
	p0 =	seq.s32 s20, $0x1  }
.Ltmp14:
0x1a9: {  	s20 =	sadd.s32 $0xFFFFFFFF, s20;
	(pc) =	sbr.rel @!p0 .LBB2_19-.Ltmp14, $4  }
0x1aa: {  	_ = 	snop  }
0x1ab: {  	[spmem:s3] =	stream.indirect.scatter.add.f32 [tilespmem:s16], [sflag:$0x4], $0x80, s10, s0, $0xb8;
	[tilespmem:$0x16380] =	vst v63  }
0x1ac: {  	_ =	swait.ge [sflag:s17], $0x2000  }
0x1ad: {  	[sflag:s17] =	ssyncset.done $0x0  }
.Ltmp15:
0x1ae: {  	_ = 	snop;
	(pc) =	sbr.rel .LBB2_20-.Ltmp15, $1  }
0x1af: {  	_ =	sdelay $0x3  }
.LBB2_22:
0x1b0: {  	_ =	sfence.sel $0x180000  }
0x1b1: {  	[bflag:$0x0] =	sbarrier.arrive $0xFFFF  }
0x1b2: {  	_ =	strace $0x90000047  }
0x1b3: {  	s0 =	stileid.u32;
	[bflag:$0x2] =	sbarrier.arrive $0xFFFF  }
0x1b4: {  	p0 =	sne.s32 s0, $0x0;
	s0 =	rddreg [dreg:$0x4]  }
0x1b5: {  	s0 =	sadd.s32 @!p0 $0x100000, s0  }
0x1b6: {  	[sflag:s0] =	ssyncadd.tile.s32 @!p0 $0x1;
	_ =	shalt  }
.Lfunc_end2:
_tile_overlayer_lowered:
.L_overlay_start_2:
0x1b7: {  	(tag) =	ssettag $0x2  }
0x1b8: {  	s0 =	rddreg [dreg:$0x0];
	s2 =	stileid.u32  }
0x1b9: {  	s1 =	rddreg [dreg:$0x1];
	p0 =	sne.s32 s2, $0x0  }
0x1ba: {  	s3 =	rddreg [dreg:$0x2];
	[bflag:$0x3] =	sbarrier.arrive $0xFFFF;
	s2 =	simm.s32 @!p0 $0x1C04  }
0x1bb: {  	[timem:s3], [sflag:s2] =	dma.local @!p0 [hbm:s0], s1  }
0x1bc: {  	s0 =	simm.s32 @!p0 $0x4  }
0x1bd: {  	_ =	swait.ge @!p0 [sflag:s0], s1  }
0x1be: {  	s1 =	ssub.s32 @!p0 $0x0, s1;
	[sflag:s0] =	ssyncset.done @!p0 $0x0  }
0x1bf: {  	[sflag:s0] =	ssyncadd.s32 @!p0 s1  }
0x1c0: {  	[bflag:$0x3] =	sbarrier.arrive $0xFFFF  }
0x1c1: {  	_ =	shalt  }

// kernel: kernel.7.cloned.1.call-start
scs
__scs_entry_jumppad:
0x0: {  	(pc) =	sbr.rel $0x88, $3  }
0x1: {  	(tag) =	ssettag $0x0;
	lr =	simm.s32 $0x1  }
0x2: {  	[smem:$0x3F9D] =	sst lr;
	_ =	strace $0xD0000000  }
0x3: {  	_ = 	snop  }
0x4: {  	_ = 	snop  }
0x5: {  	_ = 	snop  }
0x6: {  	_ = 	snop  }
0x7: {  	_ = 	snop  }
__scs_overlays_trampoline_lowered:
0x8: {  	[smem:$0x3FAC] =	sst s0  }
0x9: {  	[smem:$0x3FAD] =	sst s1  }
0xa: {  	[smem:$0x3FAE] =	sst s2  }
0xb: {  	[smem:$0x3FAF] =	sst s3  }
0xc: {  	[smem:$0x3FB0] =	sst s4  }
0xd: {  	[smem:$0x3FB1] =	sst s5  }
0xe: {  	[smem:$0x3FB2] =	sst s6  }
0xf: {  	[smem:$0x3FB3] =	sst s7  }
0x10: {  	[smem:$0x3FB4] =	sst s8  }
0x11: {  	[smem:$0x3FB5] =	sst s9;
	s0 =	simm.s32 @!p0 $0x0  }
0x12: {  	s1 =	sld [smem:$0x3F9B];
	s0 =	simm.s32 @p0 $0x1  }
0x13: {  	[smem:$0x3FB6] =	sst s0;
	s0 =	simm.s32 @!p1 $0x0  }
0x14: {  	s2 =	sld [smem:$0x3F9A];
	s0 =	simm.s32 @p1 $0x1  }
0x15: {  	[smem:$0x3FB7] =	sst s0;
	s0 =	simm.s32 @!p2 $0x0  }
0x16: {  	s3 =	sld [smem:$0x3FDB];
	s0 =	simm.s32 @p2 $0x1  }
0x17: {  	s4 =	simm.s32 $0x1BF5;
	[smem:$0x3FB9] =	sst s0  }
0x18: {  	s0 =	sld [smem:$0x3F9C];
	_ =	swait.ge [sflag:s4], $0x0  }
0x19: {  	s7 =	sld [smem:$0x3F9D]  }
0x1a: {  	s8 =	sadd.s32 $0xFFFFE003, lr  }
0x1b: {  	s9 =	sadd.s32 $0xFFFFFEF7, lr;
	s5 =	simm.s32 $0xFFFFFFFF;
	p2 =	slt.u32 s8, $0xFFFFF086  }
0x1c: {  	p1 =	slt.u32 s9, $0xF7A;
	s5 =	simm.s32 @!p2 $0x0  }
0x1d: {  	s5 =	simm.s32 @p1 $0x1;
	p0 =	seq.s32 s7, s2  }
0x1e: {  	s7 =	smul.u32 @!p0 $0xF7A, s2;
	p2 =	seq.s32 @!p0 s5, $0x0  }
0x1f: {  	s9 =	smul.u32 $0xF7A, s1;
	s8 =	simm.s32 @!p0 $0x1BF5;
	p2 =	por !p2, p0  }
0x20: {  	[sflag:s8] =	ssyncset.s32 @!p0 $0xFFFFF086;
	s6 =	sadd.s32 @!p0 s3, s7;
	s7 =	simm.s32 @!p0 $0x108  }
0x21: {  	s3 =	sadd.s32 s3, s9;
	s6 =	sadd.s32 @!p0 $0x88, s6;
	s7 =	simm.s32 @p2 $0x1082  }
0x22: {  	[simem:s7], [sflag:s8] =	dma.local @!p0 [hbm:s6], $0xF7A  }
0x23: {  	s9 =	sor.u32 $0xD0000000, s2;
	s6 =	simm.s32 $0x108;
	_ =	swait.ge @!p0 [sflag:s8], $0x0  }
0x24: {  	s3 =	sadd.s32 $0x88, s3;
	s6 =	simm.s32 @!p1 $0x1082;
	[sflag:s4] =	ssyncset.s32 $0xFFFFF086  }
0x25: {  	[simem:s6], [sflag:s4] =	dma.local [hbm:s3], $0xF7A  }
0x26: {  	[smem:$0x3F9D] =	sst s1;
	(tag) =	ssettag s2;
	_ =	strace s9  }
0x27: {  	s1 =	sld [smem:$0x3FAD]  }
0x28: {  	s2 =	sld [smem:$0x3FAE]  }
0x29: {  	s4 =	sld [smem:$0x3FB0]  }
0x2a: {  	p0 =	seq.s32 s5, $0x0;
	s5 =	sld [smem:$0x3FB1]  }
0x2b: {  	s6 =	sld [smem:$0x3FB2]  }
0x2c: {  	s7 =	sld [smem:$0x3FB3]  }
0x2d: {  	s3 =	simm.s32 $0x108;
	s8 =	sld [smem:$0x3FB4]  }
0x2e: {  	s3 =	simm.s32 @!p0 $0x1082;
	s9 =	sld [smem:$0x3FB5]  }
0x2f: {  	lr =	sadd.s32 s0, s3;
	s0 =	sld [smem:$0x3FAC]  }
0x30: {  	s3 =	sld [smem:$0x3FAF]  }
0x31: {  	[smem:$0x3FB8] =	sst s10  }
0x32: {  	s10 =	sld [smem:$0x3FB6];
	_ =	sdelay $0x3  }
0x33: {  	p0 =	seq.s32 s10, $0x1;
	s10 =	sld [smem:$0x3FB8];
	_ =	sdelay $0x3  }
0x34: {  	[smem:$0x3FB8] =	sst s10  }
0x35: {  	s10 =	sld [smem:$0x3FB7];
	_ =	sdelay $0x3  }
0x36: {  	p1 =	seq.s32 s10, $0x1;
	s10 =	sld [smem:$0x3FB8];
	_ =	sdelay $0x3  }
0x37: {  	[smem:$0x3FB8] =	sst s10  }
0x38: {  	s10 =	sld [smem:$0x3FB9]  }
0x39: {  	_ = 	snop;
	(pc) =	sbr.ind lr, $3  }
0x3a: {  	_ = 	snop  }
0x3b: {  	_ = 	snop  }
0x3c: {  	p2 =	seq.s32 s10, $0x1;
	s10 =	sld [smem:$0x3FB8]  }
0x3d: {  	_ =	shalt  }
0x3e: {  	_ =	shalt  }
0x3f: {  	_ =	shalt  }
0x40: {  	_ =	shalt  }
0x41: {  	_ =	shalt  }
0x42: {  	_ =	shalt  }
0x43: {  	_ =	shalt  }
0x44: {  	_ =	shalt  }
0x45: {  	_ =	shalt  }
0x46: {  	_ =	shalt  }
0x47: {  	_ =	shalt  }
0x48: {  	_ =	shalt  }
0x49: {  	_ =	shalt  }
0x4a: {  	_ =	shalt  }
0x4b: {  	_ =	shalt  }
0x4c: {  	_ =	shalt  }
0x4d: {  	_ =	shalt  }
0x4e: {  	_ =	shalt  }
0x4f: {  	_ =	shalt  }
0x50: {  	_ =	shalt  }
0x51: {  	_ =	shalt  }
0x52: {  	_ =	shalt  }
0x53: {  	_ =	shalt  }
0x54: {  	_ =	shalt  }
0x55: {  	_ =	shalt  }
0x56: {  	_ =	shalt  }
0x57: {  	_ =	shalt  }
0x58: {  	_ =	shalt  }
0x59: {  	_ =	shalt  }
0x5a: {  	_ =	shalt  }
0x5b: {  	_ =	shalt  }
0x5c: {  	_ =	shalt  }
0x5d: {  	_ =	shalt  }
0x5e: {  	_ =	shalt  }
0x5f: {  	_ =	shalt  }
0x60: {  	_ =	shalt  }
0x61: {  	_ =	shalt  }
0x62: {  	_ =	shalt  }
0x63: {  	_ =	shalt  }
0x64: {  	_ =	shalt  }
0x65: {  	_ =	shalt  }
0x66: {  	_ =	shalt  }
0x67: {  	_ =	shalt  }
0x68: {  	_ =	shalt  }
0x69: {  	_ =	shalt  }
0x6a: {  	_ =	shalt  }
0x6b: {  	_ =	shalt  }
0x6c: {  	_ =	shalt  }
0x6d: {  	_ =	shalt  }
0x6e: {  	_ =	shalt  }
0x6f: {  	_ =	shalt  }
0x70: {  	_ =	shalt  }
0x71: {  	_ =	shalt  }
0x72: {  	_ =	shalt  }
0x73: {  	_ =	shalt  }
0x74: {  	_ =	shalt  }
0x75: {  	_ =	shalt  }
0x76: {  	_ =	shalt  }
0x77: {  	_ =	shalt  }
0x78: {  	_ =	shalt  }
0x79: {  	_ =	shalt  }
0x7a: {  	_ =	shalt  }
0x7b: {  	_ =	shalt  }
0x7c: {  	_ =	shalt  }
0x7d: {  	_ =	shalt  }
0x7e: {  	_ =	shalt  }
0x7f: {  	_ =	shalt  }
0x80: {  	_ =	shalt  }
0x81: {  	_ =	shalt  }
0x82: {  	_ =	shalt  }
0x83: {  	_ =	shalt  }
0x84: {  	_ =	shalt  }
0x85: {  	_ =	shalt  }
0x86: {  	_ =	shalt  }
0x87: {  	_ =	shalt  }
.Lfunc_end0:
.L_simem_size_0:
called_computation.1_lowered:
.L_overlay_start_0:
0x88: {  	s2 =	sld [smem:$0x3FD9]  }
0x89: {  	s3 =	sld [smem:$0x3FFE];
	_ =	sdelay $0x1  }
0x8a: {  	s1 =	srdreg.scid  }
0x8b: {  	s0 =	sand.u32 $0x1, s1  }
0x8c: {  	s17 =	sshll.u32 s0, $0xA;
	s2 =	sadd.s32 s3, s2  }
0x8d: {  	s2 =	sadd.s32 s2, s17  }
0x8e: {  	[smem:$0x3FC4] =	sst s2  }
0x8f: {  	_ = 	snop  }
0x90: {  	s2 =	sld [smem:$0x3FC6];
	(tm) =	ssettm $0x1  }
0x91: {  	s18 =	sld [smem:$0x3FFB];
	_ =	sdelay $0x3  }
0x92: {  	_ =	strace s18  }
0x93: {  	s3 =	sld [smem:$0x3FFC];
	_ =	sdelay $0x3  }
0x94: {  	_ =	strace s3  }
0x95: {  	s3 =	sld [smem:$0x3FFD];
	_ =	sdelay $0x3  }
0x96: {  	_ =	strace s3  }
0x97: {  	_ =	strace $0x8FFFFFFF  }
0x98: {  	s19 =	sld [smem:$0x3FDB];
	_ =	sdelay $0x1  }
0x99: {  	s4 =	simm.s32 $_scs_section_size  }
0x9a: {  	s5 =	simm.s32 $_size__tile_overlayer_lowered;
	s6 =	simm.s32 $_tile_overlayer_lowered  }
0x9b: {  	s22 =	simm.s32 $0x1BFF;
	s21 =	sshll.u32 s6, $0x1;
	s3 =	sadd.s32 s4, s19  }
0x9c: {  	s7 =	simm.s32 $0x0;
	s20 =	sshll.u32 s5, $0x1;
	s5 =	sadd.s32 s21, s3  }
0x9d: {  	[timem:s7], [sflag:s22] =	dma.local [hbm:s5], s20  }
0x9e: {  	_ =	swait.ge [sflag:s22], s20  }
0x9f: {  	s4 =	ssub.s32 $0x0, s20;
	[sflag:s22] =	ssyncset.done $0x0  }
0xa0: {  	[sflag:s22] =	ssyncadd.s32 s4;
	_ =	sdelay $0x1  }
0xa1: {  	s23 =	simm.s32 $0x1B8B  }
0xa2: {  	_ =	swait.ge [sflag:s23], $0x1  }
0xa3: {  	[sflag:s23] =	ssyncset.done $0x0  }
0xa4: {  	s25 =	simm.s32 $0x1B8E;
	s24 =	sld [smem:$0x3FFE];
	[sflag:s23] =	ssyncadd.s32 $0xFFFFFFFF  }
0xa5: {  	s26 =	simm.s32 $execute0_lowered;
	[smem:$0x3FD2] =	sst s25  }
0xa6: {  	s5 =	sshll.u32 s26, $0x1;
	_ =	strace $0x80000049;
	[dreg:$0x1] =	wrdreg $0xFFFFFFFF  }
0xa7: {  	s28 =	simm.s32 $_size_execute0_lowered;
	s3 =	sadd.s32 s3, s5;
	[dreg:$0x0] =	wrdreg $0x0  }
0xa8: {  	s5 =	sshll.u32 s28, $0x1;
	[dreg:$0x2] =	wrdreg s3  }
0xa9: {  	[dreg:$0x3] =	wrdreg s5  }
0xaa: {  	[dreg:$0x4] =	wrdreg $0xC0  }
0xab: {  	_ =	task [dreg:s7], $0x5FFFF  }
0xac: {  	[dreg:$0x1] =	wrdreg $0xFFFFFFFF  }
0xad: {  	[dreg:$0x0] =	wrdreg $0x60  }
0xae: {  	[dreg:$0x2] =	wrdreg s24  }
0xaf: {  	[dreg:$0x3] =	wrdreg s2  }
0xb0: {  	[dreg:$0x4] =	wrdreg $0x9  }
0xb1: {  	_ =	task.clear_ibuf [dreg:s7], $0x5FFFF;
	_ =	strace $0x90000049  }
0xb2: {  	s29 =	simm.s32 $0x9;
	_ =	strace $0x8000004B  }
0xb3: {  	_ =	swait.ge [sflag:s29], $0x1  }
0xb4: {  	[sflag:s29] =	ssyncadd.s32 $0xFFFFFFFF  }
0xb5: {  	_ =	strace $0x9000004B  }
0xb6: {  	_ =	sfence  }
0xb7: {  	s30 =	sld [smem:$0x0];
	_ =	sdelay $0x2  }
0xb8: {  	s31 =	sshll.u32 s1, $0xD;
	s1 =	sshrl.u32 s1, $0x2  }
0xb9: {  	s3 =	sand.u32 $0x4000, s31;
	s1 =	sadd.s32 s1, s30  }
0xba: {  	s0 =	sor.u32 s3, s0;
	s1 =	sshll.u32 s1, $0x11  }
0xbb: {  	s0 =	sor.u32 s1, s0  }
0xbc: {  	s0 =	sadd.s32 $0x8F2B, s0  }
0xbd: {  	[sflag:s0] =	ssyncadd.remote.s32 $0x1  }
0xbe: {  	_ =	sfence.sel $0xFFFF  }
0xbf: {  	[dreg:$0x0] =	wrdreg $0xFFFFFFFF;
	(pc) =	sbr.abs _section_cstart, $3  }
0xc0: {  	[dreg:$0x1] =	wrdreg $0xFFFFFFFF  }
0xc1: {  	_ =	task.clear_ibuf [dreg:s7], $0x2FFFF;
	_ =	strace $0x9FFFFFFF  }
0xc2: {  	(tm) =	ssettm $0x7FFFFFFF  }
0xc3: {  	_ =	shalt  }
tec
execute0_lowered:
.L_overlay_start_1:
0x0: {  	(tag) =	ssettag $0x1  }
0x1: {  	s6 =	rddreg [dreg:$0x0]  }
0x2: {  	s2 =	rddreg [dreg:$0x1];
	s3 =	srdreg.scid  }
0x3: {  	s0 =	rddreg [dreg:$0x2];
	s1 =	stileid.u32;
	s10 =	simm.s32 $0x2  }
0x4: {  	s11 =	simm.s32 $0x20;
	s12 =	simm.s32 $0x2C00;
	s13 =	simm.s32 $0x2C80  }
0x5: {  	s14 =	simm.s32 $0x1;
	s15 =	simm.s32 $0x3C80;
	s16 =	simm.s32 $0x4C80  }
0x6: {  	s17 =	simm.s32 $0x0;
	s5 =	sand.u32 $0x1, s3;
	s3 =	simm.s32 $0x0  }
0x7: {  	s4 =	sshll.u32 s1, $0x6;
	s7 =	sshll.u32 s5, $0x5;
	[smem:$0x7FF] =	sst s3  }
0x8: {  	s31 =	ssub.s32 $0x2, s5;
	s5 =	sadd.s32 $0x9CE600, s6;
	s4 =	sor.u32 s7, s4  }
0x9: {  	_ =	strace $0x8000004A;
	s9 =	sshrl.u32 s31, $0x1;
	s8 =	sshll.u32 s4, $0x4  }
0xa: {  	s9 =	ssub.s32 s31, s9;
	s8 =	sadd.s32 s8, s6;
	s6 =	sadd.s32 $0x9D2600, s6  }
0xb: {  	v0 =	vimm.s32 $0xFFFFFFFF;
	s7 =	sadd.s32 $0x800, s8;
	s8 =	smax.u32 s9, $0x1;
	s9 =	simm.s32 $0x2780  }
.LBB2_1:
0xc: {  	[tilespmem:s9], [sflag:$0x2] =	stream.linear.gather [hbm4b:s2+s3], $0x400, $0x38;
	[tilespmem:$0x5C80] =	vst v63  }
0xd: {  	_ =	swait.ge [sflag:s10], $0x400  }
0xe: {  	[sflag:s10] =	ssyncset.done $0x0  }
0xf: {  	s18 =	simm.s32 $0x0;
	[sflag:s10] =	ssyncadd.s32 $0xFFFFFC00  }
.LBB2_2:
0x10: {  	p0 =	sne.s32 s18, $0x9C40  }
.Ltmp0:
0x11: {  	_ = 	snop;
	(pc) =	sbr.rel @p0 .LBB2_2-.Ltmp0, $3  }
0x12: {  	_ =	sdelay $0x1  }
0x13: {  	s19 =	sshra.s32 s18, $0x2  }
0x14: {  	s18 =	sadd.s32 $0x40, s18;
	[tilespmem:s19+$0x0] =	vst v0  }
0x15: {  	s18 =	simm.s32 $0x2780  }
0x16: {  	s19 =	simm.s32 $0x0;
	s20 =	simm.s32 $0x1;
	v1 =	vld [tilespmem:s18+$0x0]  }
.LBB2_4:
0x17: {  	p0 =	sne.s32 s20, $0x3FF;
	_ =	sdelay $0x3  }
.Ltmp1:
0x18: {  	(pc) =	sbr.rel @p0 .LBB2_4-.Ltmp1, $4  }
0x19: {  	_ = 	snop  }
0x1a: {  	v2 =	vmov s19;
	s19 =	smov.u32 s20  }
0x1b: {  	s18 =	sadd.s32 $0x1, s18;
	[tilespmem:v1+s3+$0x0] =	vst.idx.msk $0x1, v2  }
0x1c: {  	s20 =	sadd.s32 $0x1, s20;
	v1 =	vld [tilespmem:s18+$0x0]  }
0x1d: {  	_ =	sdelay $0x6  }
0x1e: {  	v2 =	vmov s19  }
0x1f: {  	[tilespmem:v1+s3+$0x0] =	vst.idx.msk $0x1, v2  }
0x20: {  	v1 =	vld [tilespmem:s4+$0x2780];
	_ =	sdelay $0x6  }
0x21: {  	s18 =	simm.s32 $0x0  }
0x22: {  	v1 =	vld.idx.msk [tilespmem:v1+s18+$0x0], $0xffff;
	_ =	sdelay $0x4  }
0x23: {  	[tilespmem:$0x2C00] =	vst v1  }
0x24: {  	v1 =	vld [tilespmem:s4+$0x2790];
	_ =	sdelay $0x7  }
0x25: {  	v1 =	vld.idx.msk [tilespmem:v1+s18+$0x0], $0xffff;
	_ =	sdelay $0x4  }
0x26: {  	[tilespmem:$0x2C10] =	vst v1  }
0x27: {  	[tilespmem:s13], [sflag:$0x1] =	stream.indirect.gather [hbm4b:s5+s11], $0x80, s12, s11, $0xb8;
	[tilespmem:$0x5C80] =	vst v63  }
0x28: {  	_ =	swait.ge [sflag:s14], $0x1000  }
0x29: {  	[sflag:s14] =	ssyncset.done $0x0  }
0x2a: {  	[sflag:s14] =	ssyncadd.s32 $0xFFFFF000  }
0x2b: {  	[tilespmem:s15], [sflag:$0x1] =	stream.indirect.gather [hbm4b:s6+s11], $0x80, s12, s11, $0xb8;
	[tilespmem:$0x5C80] =	vst v63  }
0x2c: {  	_ =	swait.ge [sflag:s14], $0x1000  }
0x2d: {  	[sflag:s14] =	ssyncset.done $0x0  }
0x2e: {  	s20 =	simm.s32 $0x0;
	[sflag:s14] =	ssyncadd.s32 $0xFFFFF000  }
0x2f: {  	v1 =	vld [tilespmem:s20+$0x2CA0]  }
0x30: {  	v2 =	vld [tilespmem:s20+$0x2C80]  }
0x31: {  	v3 =	vld [tilespmem:s20+$0x3C80]  }
0x32: {  	v4 =	vld [tilespmem:s20+$0x2C90]  }
0x33: {  	v5 =	vld [tilespmem:s20+$0x3C90]  }
0x34: {  	v6 =	vld [tilespmem:s20+$0x3CA0]  }
0x35: {  	v7 =	vld [tilespmem:s20+$0x2CB0]  }
0x36: {  	v8 =	vld [tilespmem:s20+$0x3CB0]  }
0x37: {  	v10 =	vld [tilespmem:s20+$0x2CD0]  }
0x38: {  	v2 =	vadd.f32 v3, v2;
	v3 =	vld [tilespmem:s20+$0x2CC0];
	v4 =	vadd.f32 v5, v4  }
0x39: {  	v1 =	vadd.f32 v6, v1;
	v5 =	vld [tilespmem:s20+$0x3CC0]  }
0x3a: {  	v6 =	vld [tilespmem:s20+$0x3CD0];
	v21 =	vadd.f32 $1.000000000e-15, v2;
	v22 =	vadd.f32 $1.000000000e-15, v4  }
0x3b: {  	v2 =	vadd.f32 v8, v7;
	v4 =	vld [tilespmem:s20+$0x2CE0]  }
0x3c: {  	v9 =	vadd.f32 $1.000000000e-15, v1;
	v1 =	vld [tilespmem:s20+$0x3CE0];
	v7 =	vmul.f32 v21, v21;
	v8 =	vmul.f32 v22, v22  }
0x3d: {  	v12 =	vadd.f32 $1.000000000e-15, v2  }
0x3e: {  	v2 =	vld [tilespmem:s20+$0x2CF0];
	v3 =	vadd.f32 v5, v3;
	v7 =	vadd.f32 v8, v7;
	v8 =	vmul.f32 v9, v9  }
0x3f: {  	v5 =	vld [tilespmem:s20+$0x3CF0];
	v6 =	vadd.f32 v6, v10  }
0x40: {  	v13 =	vadd.f32 $1.000000000e-15, v3;
	v3 =	vadd.f32 v8, v7;
	v7 =	vmul.f32 v12, v12  }
0x41: {  	s18 =	simm.s32 $0x80;
	v1 =	vadd.f32 v1, v4  }
0x42: {  	v11 =	vld [tilespmem:s18+$0x3CB0];
	v16 =	vadd.f32 $1.000000000e-15, v6;
	v4 =	vmul.f32 v13, v13;
	v3 =	vadd.f32 v7, v3  }
0x43: {  	v6 =	vld [tilespmem:s18+$0x2CA0];
	v19 =	vadd.f32 $1.000000000e-15, v1  }
0x44: {  	v2 =	vadd.f32 v5, v2;
	v5 =	vld [tilespmem:s18+$0x2C80];
	v1 =	vadd.f32 v4, v3;
	v3 =	vmul.f32 v16, v16  }
0x45: {  	v7 =	vld [tilespmem:s18+$0x2C90]  }
0x46: {  	v4 =	vld [tilespmem:s18+$0x3C80];
	v20 =	vadd.f32 $1.000000000e-15, v2;
	v2 =	vmul.f32 v19, v19;
	v1 =	vadd.f32 v3, v1  }
0x47: {  	v3 =	vld [tilespmem:s18+$0x3C90]  }
0x48: {  	v8 =	vld [tilespmem:s18+$0x3CA0];
	v1 =	vadd.f32 v2, v1;
	v2 =	vmul.f32 v20, v20  }
0x49: {  	v10 =	vld [tilespmem:s18+$0x2CB0]  }
0x4a: {  	v17 =	vld [tilespmem:s18+$0x2CD0];
	v1 =	vadd.f32 v2, v1  }
0x4b: {  	v2 =	vadd.f32 v4, v5;
	v5 =	vld [tilespmem:s18+$0x2CC0]  }
0x4c: {  	v4 =	vadd.f32 v3, v7;
	v7 =	vld [tilespmem:s18+$0x3CC0];
	v14 =	vshra.s32 v1, $0x1  }
0x4d: {  	v18 =	vld [tilespmem:s18+$0x3CD0];
	v15 =	vmul.f32 $5.000000000e-01, v1;
	v3 =	vadd.f32 $1.000000000e-15, v2;
	v2 =	vadd.f32 v8, v6  }
0x4e: {  	v23 =	vld [tilespmem:s18+$0x3CE0];
	v8 =	vadd.f32 v11, v10;
	v14 =	vsub.s32 $0x5F3759DF, v14;
	v1 =	vadd.f32 $1.000000000e-15, v4  }
0x4f: {  	v10 =	vld [tilespmem:s18+$0x2CE0];
	v6 =	vmul.f32 v14, v15;
	v11 =	vmul.f32 v3, v3  }
0x50: {  	v4 =	vadd.f32 $1.000000000e-15, v2;
	v2 =	vadd.f32 $1.000000000e-15, v8;
	v8 =	vld [tilespmem:s18+$0x3CF0];
	v24 =	vmul.f32 v1, v1  }
0x51: {  	v6 =	vmul.f32 v14, v6;
	v5 =	vadd.f32 v7, v5;
	v7 =	vld [tilespmem:s18+$0x2CF0]  }
0x52: {  	s19 =	simm.s32 $0x100;
	v11 =	vadd.f32 v24, v11;
	v24 =	vmul.f32 v4, v4  }
0x53: {  	v25 =	vld [tilespmem:s19+$0x3CD0];
	v17 =	vadd.f32 v18, v17;
	v6 =	vsub.f32 $1.500000000e+00, v6  }
0x54: {  	v27 =	vld [tilespmem:s19+$0x2C80];
	v5 =	vadd.f32 $1.000000000e-15, v5;
	v11 =	vadd.f32 v24, v11;
	v24 =	vmul.f32 v2, v2  }
0x55: {  	v29 =	vld [tilespmem:s19+$0x2C90];
	v10 =	vadd.f32 v23, v10;
	v14 =	vmul.f32 v14, v6;
	v6 =	vadd.f32 $1.000000000e-15, v17  }
0x56: {  	v18 =	vld [tilespmem:s19+$0x2CD0];
	v23 =	vmul.f32 v5, v5;
	v11 =	vadd.f32 v24, v11;
	v8 =	vadd.f32 v8, v7  }
0x57: {  	v7 =	vadd.f32 $1.000000000e-15, v10;
	v10 =	vld [tilespmem:s19+$0x3C80];
	v24 =	vmul.f32 v14, v15  }
0x58: {  	v28 =	vmul.f32 v6, v6;
	v23 =	vadd.f32 v23, v11;
	v11 =	vadd.f32 $1.000000000e-15, v8;
	v8 =	vld [tilespmem:s19+$0x3C90]  }
0x59: {  	v26 =	vld [tilespmem:s19+$0x2CA0];
	v24 =	vmul.f32 v24, v14  }
0x5a: {  	v17 =	vld [tilespmem:s19+$0x3CA0];
	v23 =	vadd.f32 v28, v23;
	v28 =	vmul.f32 v7, v7  }
0x5b: {  	v24 =	vsub.f32 $1.500000000e+00, v24  }
0x5c: {  	v30 =	vld [tilespmem:s19+$0x2CB0];
	v10 =	vadd.f32 v10, v27;
	v23 =	vadd.f32 v28, v23;
	v28 =	vmul.f32 v11, v11  }
0x5d: {  	v31 =	vadd.f32 v25, v18;
	v14 =	vmul.f32 v24, v14;
	v24 =	vld [tilespmem:s19+$0x3CB0];
	v8 =	vadd.f32 v8, v29  }
0x5e: {  	v18 =	vld [tilespmem:s19+$0x2CC0];
	v10 =	vadd.f32 $1.000000000e-15, v10;
	v23 =	vadd.f32 v28, v23  }
0x5f: {  	v25 =	vadd.f32 v17, v26;
	v26 =	vld [tilespmem:s19+$0x3CC0];
	v15 =	vmul.f32 v14, v15;
	v8 =	vadd.f32 $1.000000000e-15, v8  }
0x60: {  	v28 =	vmul.f32 v10, v10;
	v27 =	vshra.s32 v23, $0x1;
	v17 =	vmul.f32 $5.000000000e-01, v23  }
0x61: {  	v23 =	vmul.f32 v15, v14;
	v32 =	vsub.s32 $0x5F3759DF, v27;
	v15 =	vadd.f32 $1.000000000e-15, v25  }
0x62: {  	v33 =	vld [tilespmem:s19+$0x3CE0];
	v25 =	vmul.f32 v32, v17;
	v27 =	vadd.f32 v24, v30;
	v30 =	vmul.f32 v8, v8  }
0x63: {  	v29 =	vld [tilespmem:s19+$0x2CE0];
	v23 =	vsub.f32 $1.500000000e+00, v23  }
0x64: {  	v34 =	vld [tilespmem:s19+$0x2CF0];
	v18 =	vadd.f32 v26, v18;
	v26 =	vmul.f32 v32, v25;
	v28 =	vadd.f32 v30, v28  }
0x65: {  	s21 =	simm.s32 $0x180;
	v35 =	vld [tilespmem:s19+$0x3CF0];
	v30 =	vmul.f32 v15, v15;
	v23 =	vmul.f32 v23, v14;
	v14 =	vadd.f32 $1.000000000e-15, v27  }
0x66: {  	v18 =	vadd.f32 $1.000000000e-15, v18;
	v24 =	vld [tilespmem:s21+$0x2CD0];
	v36 =	vsub.f32 $1.500000000e+00, v26  }
0x67: {  	v25 =	vld [tilespmem:s21+$0x3CD0];
	v37 =	vadd.f32 v30, v28;
	v27 =	vmin.f32 v23, $9.999999950e+11;
	v38 =	vmul.f32 v14, v14  }
0x68: {  	v29 =	vadd.f32 v33, v29;
	v26 =	vld [tilespmem:s21+$0x2CA0];
	v39 =	vmul.f32 v27, v20;
	v23 =	vmul.f32 v32, v36  }
0x69: {  	v61 =	vmul.f32 v18, v18;
	v28 =	vld [tilespmem:s21+$0x3CA0];
	v20 =	vadd.f32 $1.000000000e-15, v31;
	v60 =	vadd.f32 v38, v37  }
0x6a: {  	v33 =	vadd.f32 v35, v34;
	v30 =	vld [tilespmem:s21+$0x2C80];
	v63 =	vmul.f32 v27, v21;
	[tilespmem:s20+$0x4CF0] =	vst v39;
	v62 =	vmul.f32 v23, v17  }
0x6b: {  	v21 =	vadd.f32 $1.000000000e-15, v29;
	v35 =	vmul.f32 v20, v20;
	v31 =	vld [tilespmem:s21+$0x3C80];
	v34 =	vadd.f32 v61, v60  }
0x6c: {  	s22 =	simm.s32 $0x800;
	v22 =	vmul.f32 v27, v22;
	v32 =	vld [tilespmem:s21+$0x2C90];
	[tilespmem:s20+$0x4C80] =	vst v63;
	v29 =	vmul.f32 v62, v23  }
.LBB2_6:
0x6d: {  	p0 =	sne.s32 s22, $0x3E00;
	v36 =	vld [tilespmem:s21+$0x3C90];
	v33 =	vadd.f32 $1.000000000e-15, v33;
	v34 =	vadd.f32 v35, v34;
	v35 =	vmul.f32 v21, v21  }
0x6e: {  	v12 =	vmul.f32 v27, v12;
	v29 =	vsub.f32 $1.500000000e+00, v29;
	[tilespmem:s20+$0x4C90] =	vst v22;
	v22 =	vmul.f32 v27, v9;
	v9 =	vmovc v4  }
0x6f: {  	v13 =	vmul.f32 v27, v13;
	v4 =	vmovc v15;
	v37 =	vld [tilespmem:s21+$0x2CB0];
	v34 =	vadd.f32 v35, v34;
	v35 =	vmul.f32 v33, v33  }
0x70: {  	v39 =	vadd.f32 v25, v24;
	v15 =	vmul.f32 v27, v16;
	v38 =	vld [tilespmem:s21+$0x3CB0];
	v23 =	vmul.f32 v29, v23;
	[tilespmem:s20+$0x4CA0] =	vst v22  }
0x71: {  	v19 =	vmul.f32 v27, v19;
	v16 =	vadd.f32 v31, v30;
	v22 =	vld [tilespmem:s21+$0x2CC0];
	v24 =	vadd.f32 v35, v34;
	[tilespmem:s20+$0x4CB0] =	vst v12  }
0x72: {  	v26 =	vadd.f32 v28, v26;
	v25 =	vadd.f32 v36, v32;
	v27 =	vld [tilespmem:s21+$0x3CC0];
	v28 =	vmul.f32 v23, v17;
	[tilespmem:s20+$0x4CC0] =	vst v13  }
0x73: {  	v12 =	vmovc v2;
	v2 =	vmovc v14;
	v29 =	vadd.f32 $1.000000000e-15, v16;
	v31 =	vshra.s32 v24, $0x1;
	v17 =	vmul.f32 $5.000000000e-01, v24;
	[tilespmem:s20+$0x4CD0] =	vst v15  }
0x74: {  	v13 =	vmovc v5;
	v5 =	vmovc v18;
	v36 =	vadd.f32 $1.000000000e-15, v25;
	v30 =	vsub.s32 $0x5F3759DF, v31;
	v14 =	vmul.f32 v28, v23;
	[tilespmem:s20+$0x4CE0] =	vst v19;
	s20 =	smov.u32 s18;
	s18 =	smov.u32 s19;
	s19 =	smov.u32 s21  }
0x75: {  	v15 =	vadd.f32 $1.000000000e-15, v26;
	v16 =	vmovc v6;
	v6 =	vmovc v20;
	v18 =	vadd.f32 v38, v37;
	v28 =	vld [tilespmem:s19+$0x2CE0];
	v24 =	vmul.f32 v30, v17  }
0x76: {  	v25 =	vmul.f32 v29, v29;
	v19 =	vmovc v7;
	v7 =	vmovc v21;
	v20 =	vld [tilespmem:s19+$0x3CE0];
	v26 =	vmul.f32 v36, v36;
	v31 =	vsub.f32 $1.500000000e+00, v14  }
0x77: {  	v14 =	vadd.f32 $1.000000000e-15, v18;
	v18 =	vadd.f32 v27, v22;
	v21 =	vld [tilespmem:s19+$0x2CF0];
	v22 =	vmul.f32 v30, v24  }
0x78: {  	s21 =	sshra.s32 s22, $0x2;
	v27 =	vmul.f32 v15, v15;
	v32 =	vld [tilespmem:s19+$0x3CF0];
	v26 =	vadd.f32 v26, v25;
	v23 =	vmul.f32 v31, v23  }
0x79: {  	v24 =	vld [tilespmem:s21+$0x2CD0];
	v18 =	vadd.f32 $1.000000000e-15, v18;
	v22 =	vsub.f32 $1.500000000e+00, v22  }
0x7a: {  	v34 =	vmul.f32 v14, v14;
	v25 =	vld [tilespmem:s21+$0x3CD0];
	v31 =	vadd.f32 v27, v26;
	v27 =	vmin.f32 v23, $9.999999950e+11  }
.Ltmp2:
0x7b: {  	v26 =	vld [tilespmem:s21+$0x2CA0];
	v35 =	vadd.f32 v20, v28;
	v23 =	vmul.f32 v30, v22;
	v22 =	vmul.f32 v27, v11;
	v11 =	vmovc v33;
	(pc) =	sbr.rel @p0 .LBB2_6-.Ltmp2, $4  }
0x7c: {  	v20 =	vadd.f32 $1.000000000e-15, v39;
	v37 =	vmul.f32 v18, v18;
	v28 =	vld [tilespmem:s21+$0x3CA0];
	v34 =	vadd.f32 v34, v31  }
0x7d: {  	v39 =	vmul.f32 v27, v3;
	v30 =	vld [tilespmem:s21+$0x2C80];
	v33 =	vadd.f32 v32, v21;
	v38 =	vmul.f32 v23, v17;
	[tilespmem:s20+$0x4CF0] =	vst v22  }
0x7e: {  	v3 =	vmovc v10;
	v10 =	vmovc v29;
	v21 =	vadd.f32 $1.000000000e-15, v35;
	v35 =	vmul.f32 v20, v20;
	v31 =	vld [tilespmem:s21+$0x3C80];
	v34 =	vadd.f32 v37, v34  }
0x7f: {  	s22 =	sadd.s32 $0x200, s22;
	v22 =	vmul.f32 v27, v1;
	v1 =	vmovc v8;
	v8 =	vmov v36;
	v32 =	vld [tilespmem:s21+$0x2C90];
	v29 =	vmul.f32 v38, v23;
	[tilespmem:s20+$0x4C80] =	vst v39  }
0x80: {  	v36 =	vld [tilespmem:s21+$0x3C90]  }
0x81: {  	v9 =	vmul.f32 v27, v9;
	[tilespmem:s20+$0x4C90] =	vst v22  }
0x82: {  	v12 =	vmul.f32 v27, v12;
	v22 =	vld [tilespmem:s21+$0x2CB0]  }
0x83: {  	v13 =	vmul.f32 v27, v13;
	v37 =	vld [tilespmem:s21+$0x3CB0];
	[tilespmem:s20+$0x4CA0] =	vst v9  }
0x84: {  	v56 =	vmul.f32 v27, v16;
	v9 =	vld [tilespmem:s21+$0x2CC0];
	[tilespmem:s20+$0x4CB0] =	vst v12  }
0x85: {  	v19 =	vmul.f32 v27, v19;
	v30 =	vadd.f32 v31, v30;
	v57 =	vld [tilespmem:s21+$0x3CC0];
	[tilespmem:s20+$0x4CC0] =	vst v13;
	v58 =	vadd.f32 v36, v32  }
0x86: {  	v26 =	vadd.f32 v28, v26;
	[tilespmem:s20+$0x4CD0] =	vst v56  }
0x87: {  	[tilespmem:s20+$0x4CE0] =	vst v19;
	v12 =	vadd.f32 $1.000000000e-15, v30;
	v27 =	vadd.f32 $1.000000000e-15, v58  }
0x88: {  	v59 =	vadd.f32 $1.000000000e-15, v33;
	v62 =	vld [tilespmem:s21+$0x2CE0];
	v22 =	vadd.f32 v37, v22  }
0x89: {  	v26 =	vadd.f32 $1.000000000e-15, v26;
	v63 =	vld [tilespmem:s21+$0x3CE0];
	v36 =	vmul.f32 v12, v12;
	v37 =	vmul.f32 v27, v27  }
0x8a: {  	v60 =	vadd.f32 v35, v34;
	v61 =	vmul.f32 v21, v21;
	v39 =	vld [tilespmem:s21+$0x2CF0];
	v22 =	vadd.f32 $1.000000000e-15, v22  }
0x8b: {  	v40 =	vld [tilespmem:s21+$0x3CF0];
	v41 =	vmul.f32 v26, v26;
	v9 =	vadd.f32 v57, v9;
	v32 =	vadd.f32 v37, v36  }
0x8c: {  	v24 =	vadd.f32 v25, v24;
	v38 =	vmul.f32 v59, v59;
	v19 =	vadd.f32 v61, v60  }
0x8d: {  	v9 =	vadd.f32 $1.000000000e-15, v9;
	v43 =	vmul.f32 v22, v22;
	v42 =	vadd.f32 v41, v32  }
0x8e: {  	v24 =	vadd.f32 $1.000000000e-15, v24;
	v19 =	vadd.f32 v38, v19  }
0x8f: {  	v30 =	vadd.f32 v63, v62;
	v45 =	vmul.f32 v9, v9;
	v25 =	vadd.f32 v43, v42  }
0x90: {  	v47 =	vmul.f32 v24, v24;
	v44 =	vshra.s32 v19, $0x1;
	v16 =	vadd.f32 v40, v39  }
0x91: {  	v19 =	vmul.f32 $5.000000000e-01, v19;
	v30 =	vadd.f32 $1.000000000e-15, v30;
	v25 =	vadd.f32 v45, v25  }
0x92: {  	v46 =	vsub.s32 $0x5F3759DF, v44;
	v16 =	vadd.f32 $1.000000000e-15, v16  }
0x93: {  	v32 =	vmul.f32 v46, v19;
	v48 =	vmul.f32 v30, v30;
	v25 =	vadd.f32 v47, v25;
	_ =	sdelay $0x1  }
0x94: {  	v49 =	vmul.f32 v16, v16;
	v32 =	vmul.f32 v46, v32;
	v25 =	vadd.f32 v48, v25  }
0x95: {  	v29 =	vsub.f32 $1.500000000e+00, v29  }
0x96: {  	v32 =	vsub.f32 $1.500000000e+00, v32;
	v25 =	vadd.f32 v49, v25  }
0x97: {  	v23 =	vmul.f32 v29, v23  }
0x98: {  	v50 =	vmul.f32 v46, v32;
	v51 =	vshra.s32 v25, $0x1;
	v25 =	vmul.f32 $5.000000000e-01, v25  }
0x99: {  	v17 =	vmul.f32 v23, v17;
	v29 =	vsub.s32 $0x5F3759DF, v51  }
0x9a: {  	v31 =	vmul.f32 v50, v19;
	v52 =	vmul.f32 v29, v25  }
0x9b: {  	v17 =	vmul.f32 v17, v23  }
0x9c: {  	v31 =	vmul.f32 v31, v50;
	v32 =	vmul.f32 v29, v52  }
0x9d: {  	v17 =	vsub.f32 $1.500000000e+00, v17  }
0x9e: {  	v31 =	vsub.f32 $1.500000000e+00, v31;
	v32 =	vsub.f32 $1.500000000e+00, v32  }
0x9f: {  	v17 =	vmul.f32 v17, v23  }
0xa0: {  	v53 =	vmul.f32 v31, v50;
	v54 =	vmul.f32 v29, v32;
	_ =	sdelay $0x1  }
0xa1: {  	v17 =	vmin.f32 v17, $9.999999950e+11;
	v19 =	vmul.f32 v53, v19;
	v29 =	vmul.f32 v54, v25  }
0xa2: {  	v11 =	vmul.f32 v17, v11;
	v3 =	vmul.f32 v17, v3  }
0xa3: {  	v19 =	vmul.f32 v19, v53;
	v29 =	vmul.f32 v29, v54  }
0xa4: {  	v1 =	vmul.f32 v17, v1;
	[tilespmem:s18+$0x4CF0] =	vst v11  }
0xa5: {  	[tilespmem:s18+$0x4C80] =	vst v3;
	v3 =	vmul.f32 v17, v4;
	v55 =	vsub.f32 $1.500000000e+00, v19;
	v56 =	vsub.f32 $1.500000000e+00, v29  }
0xa6: {  	[tilespmem:s18+$0x4C90] =	vst v1;
	v1 =	vmul.f32 v17, v2;
	v2 =	vmul.f32 v17, v5  }
0xa7: {  	[tilespmem:s18+$0x4CA0] =	vst v3;
	v3 =	vmul.f32 v55, v53;
	v57 =	vmul.f32 v56, v54  }
0xa8: {  	v58 =	vmul.f32 v17, v6;
	[tilespmem:s18+$0x4CB0] =	vst v1  }
0xa9: {  	v1 =	vmul.f32 v17, v7;
	[tilespmem:s18+$0x4CC0] =	vst v2;
	v2 =	vmin.f32 v3, $9.999999950e+11;
	v3 =	vmul.f32 v57, v25  }
0xaa: {  	[tilespmem:s18+$0x4CD0] =	vst v58;
	v59 =	vmul.f32 v2, v59  }
0xab: {  	[tilespmem:s18+$0x4CE0] =	vst v1;
	v1 =	vmul.f32 v2, v10;
	v3 =	vmul.f32 v3, v57  }
0xac: {  	v60 =	vmul.f32 v2, v8;
	[tilespmem:s19+$0x4CF0] =	vst v59  }
0xad: {  	[tilespmem:s19+$0x4C80] =	vst v1;
	v1 =	vmul.f32 v2, v15;
	v3 =	vsub.f32 $1.500000000e+00, v3  }
0xae: {  	v61 =	vmul.f32 v2, v14;
	[tilespmem:s19+$0x4C90] =	vst v60  }
0xaf: {  	v62 =	vmul.f32 v2, v18;
	[tilespmem:s19+$0x4CA0] =	vst v1;
	v1 =	vmul.f32 v3, v57  }
0xb0: {  	[tilespmem:s19+$0x4CB0] =	vst v61;
	v3 =	vmul.f32 v2, v20  }
0xb1: {  	[tilespmem:s19+$0x4CC0] =	vst v62;
	v2 =	vmul.f32 v2, v21;
	v1 =	vmin.f32 v1, $9.999999950e+11  }
0xb2: {  	[tilespmem:s19+$0x4CD0] =	vst v3;
	v3 =	vmul.f32 v1, v16  }
0xb3: {  	[tilespmem:s19+$0x4CE0] =	vst v2;
	v2 =	vmul.f32 v1, v12  }
0xb4: {  	v63 =	vmul.f32 v1, v9;
	[tilespmem:s21+$0x4CF0] =	vst v3  }
0xb5: {  	v3 =	vmul.f32 v1, v27;
	[tilespmem:s21+$0x4C80] =	vst v2  }
0xb6: {  	v2 =	vmul.f32 v1, v26;
	[tilespmem:s21+$0x4CC0] =	vst v63  }
0xb7: {  	[tilespmem:s21+$0x4C90] =	vst v3;
	v3 =	vmul.f32 v1, v22  }
0xb8: {  	[tilespmem:s21+$0x4CA0] =	vst v2;
	v2 =	vmul.f32 v1, v24  }
0xb9: {  	s17 =	sadd.s32 $0x1, s17;
	v1 =	vmul.f32 v1, v30;
	[tilespmem:s21+$0x4CB0] =	vst v3  }
0xba: {  	p0 =	sne.s32 s17, s8;
	[tilespmem:s21+$0x4CD0] =	vst v2  }
.Ltmp3:
0xbb: {  	[tilespmem:s21+$0x4CE0] =	vst v1;
	(pc) =	sbr.rel @p0 .LBB2_1-.Ltmp3, $4  }
0xbc: {  	[hbm4b:s7+s3] =	stream.linear.scatter [tilespmem:s16], [sflag:$0x2], $0x1000, $0x38;
	[tilespmem:$0x5C80] =	vst v63  }
0xbd: {  	_ =	swait.ge [sflag:s10], $0x1000  }
0xbe: {  	[sflag:s10] =	ssyncset.done $0x0  }
0xbf: {  	[sflag:s10] =	ssyncadd.s32 $0xFFFFF000  }
0xc0: {  	_ =	sfence.sel $0x180000  }
0xc1: {  	[bflag:$0x0] =	sbarrier.arrive $0xFFFF  }
0xc2: {  	p0 =	sne.s32 s1, $0x0;
	_ =	strace $0x9000004A  }
0xc3: {  	s0 =	sadd.s32 @!p0 $0x100000, s0;
	[bflag:$0x2] =	sbarrier.arrive $0xFFFF  }
0xc4: {  	[sflag:s0] =	ssyncadd.tile.s32 @!p0 $0x1;
	_ =	shalt  }
.Lfunc_end2:
_tile_overlayer_lowered:
.L_overlay_start_2:
0xc5: {  	(tag) =	ssettag $0x2  }
0xc6: {  	s0 =	rddreg [dreg:$0x0];
	s2 =	stileid.u32  }
0xc7: {  	s1 =	rddreg [dreg:$0x1];
	p0 =	sne.s32 s2, $0x0  }
0xc8: {  	s3 =	rddreg [dreg:$0x2];
	[bflag:$0x3] =	sbarrier.arrive $0xFFFF;
	s2 =	simm.s32 @!p0 $0x1C02  }
0xc9: {  	[timem:s3], [sflag:s2] =	dma.local @!p0 [hbm:s0], s1  }
0xca: {  	s0 =	simm.s32 @!p0 $0x2  }
0xcb: {  	_ =	swait.ge @!p0 [sflag:s0], s1  }
0xcc: {  	s1 =	ssub.s32 @!p0 $0x0, s1;
	[sflag:s0] =	ssyncset.done @!p0 $0x0  }
0xcd: {  	[sflag:s0] =	ssyncadd.s32 @!p0 s1  }
0xce: {  	[bflag:$0x3] =	sbarrier.arrive $0xFFFF  }
0xcf: {  	_ =	shalt  }

</sc_bundles>
